<compile_context>
chip_gen: v7x
topology: tpu7x:2x2x1
jax: 0.10.2.dev20260603
libtpu: 0.0.44.dev20260713+nightly
codegen_flags: <defaults>
</compile_context>

<pallas_src>
import functools

import jax
import jax.numpy as jnp
from jax import lax
from jax.experimental import pallas as pl
from jax.experimental.pallas import tpu as pltpu
from jax.experimental.pallas import tpu_sc as plsc

VOCAB = 10
HIDDEN = 128
NC, NS = 2, 16
NW = NC * NS
CHUNK = 128
NBUF = 6


@functools.partial(jax.jit, static_argnames=("nidx",))
def _emb_lookup(idx, table, nidx):
    nchunks = nidx

    @functools.partial(
        pl.kernel,
        out_type=jax.ShapeDtypeStruct((NW * nidx * CHUNK, HIDDEN), jnp.float32),
        mesh=plsc.VectorSubcoreMesh(core_axis_name="c", subcore_axis_name="s"),
        scratch_types=[
            pltpu.VMEM((nidx, CHUNK), jnp.int32),
            pltpu.VMEM((NBUF, CHUNK, HIDDEN), jnp.float32),
            pltpu.VMEM_SHARED((NS * VOCAB, HIDDEN), jnp.float32),
            [pltpu.SemaphoreType.DMA] * NBUF,
            [pltpu.SemaphoreType.DMA] * NBUF,
        ],
    )
    def k(idx_hbm, table_hbm, out_hbm, idx_v, rbuf, table_sp, gs, ws):
        wid = lax.axis_index("s") * NC + lax.axis_index("c")

        @pl.when(lax.axis_index("s") == 0)
        def _():
            pltpu.sync_copy(table_hbm, table_sp)

        pltpu.sync_copy(idx_hbm.at[wid], idx_v)
        plsc.subcore_barrier()

        def start_gather(j, b):
            pltpu.async_copy(table_sp.at[idx_v.at[j]], rbuf.at[b], gs[b])

        def wait_gather(b):
            pltpu.make_async_copy(table_sp, rbuf.at[b], gs[b]).wait()

        def out_slice(j):
            return out_hbm.at[pl.ds((wid * nchunks + j) * CHUNK, CHUNK)]

        def wait_write(j, b):
            pltpu.make_async_copy(rbuf.at[b], out_slice(j), ws[b]).wait()

        for j in range(4):
            start_gather(j, j)

        def step(j, b):
            p = (b + 4) % NBUF
            wait_gather(b)

            @pl.when(j + 4 < nchunks)
            def _():
                @pl.when(j >= 2)
                def _():
                    wait_write(j - 2, p)

                start_gather(j + 4, p)

            pltpu.async_copy(rbuf.at[b], out_slice(j), ws[b])

        nmain = (nchunks // NBUF) * NBUF

        def body(i, carry):
            for u in range(NBUF):
                step(i * NBUF + u, u)
            return carry

        lax.fori_loop(0, nmain // NBUF, body, 0)
        for j in range(nmain, nchunks):
            step(j, j % NBUF)
        for j in range(nchunks - NBUF, nchunks):
            wait_write(j, j % NBUF)

    return k(idx, table)


def kernel(input_ids, word_embeddings):
    b, s = input_ids.shape
    n = b * s
    assert n % (NW * CHUNK) == 0
    nidx = n // (NW * CHUNK)
    idx = input_ids.reshape(NW, nidx, CHUNK).astype(jnp.int32)
    idx = idx + ((jnp.arange(NW, dtype=jnp.int32) // NC) * VOCAB)[:, None, None]
    table_tiled = jnp.tile(word_embeddings, (NS, 1))
    out = _emb_lookup(idx, table_tiled, nidx)
    return out.reshape(b, s, HIDDEN)

# --- scband reference (transcript-rebuilt; emitter-appended) ---
"""Pipeline reference for scband-mock-model-46394236731443 (READ-ONLY COPY).

The authoritative reference and input builder live on the scoring server;
editing this copy changes nothing except your own understanding.
"""

import jax, jax.numpy as jnp
import numpy as np

VOCAB = 10
HIDDEN = 128
BATCH = 4096
SEQ = 200

def setup_inputs(seed: int = 0) -> dict:
    key = jax.random.key(seed)
    k_idx, k_tab = jax.random.split(key)
    input_ids = jax.random.randint(k_idx, (BATCH, SEQ), 0, VOCAB, dtype=jnp.int64)
    # learned parameter: word embedding table, nn.Embedding(10, hidden_size)
    word_embeddings = jax.random.normal(k_tab, (VOCAB, HIDDEN), dtype=jnp.float32)
    return {"input_ids": input_ids, "word_embeddings": word_embeddings}

def reference(input_ids, word_embeddings):
    # MockModel forward: embedding lookup of input ids into the word table
    out = jnp.take(word_embeddings, input_ids, axis=0)  # [B, S, H]
    return out

if __name__ == "__main__":
    import jax
    _d = setup_inputs()
    print(jax.jit(kernel)(*tuple(_d.values())))

</pallas_src>

<mosaic_0001>
#map = affine_map<(d0, d1) -> (0, 0, 0)>
#map1 = affine_map<(d0, d1) -> (0, 0)>
module attributes {stable_mosaic.version = 14 : i64} {
  func.func @k(%arg0: i32, %arg1: i32, %arg2: memref<32x200x128xi32, #tpu.memory_space<hbm>>, %arg3: memref<160x128xf32, #tpu.memory_space<hbm>>, %arg4: memref<819200x128xf32, #tpu.memory_space<hbm>>, %arg5: memref<200x128xi32, #tpu.memory_space<vmem>>, %arg6: memref<6x128x128xf32, #tpu.memory_space<vmem>>, %arg7: memref<160x128xf32, #tpu.memory_space<vmem_shared>>, %arg8: memref<!tpu.dma_semaphore, #tpu.memory_space<semaphore_mem>>, %arg9: memref<!tpu.dma_semaphore, #tpu.memory_space<semaphore_mem>>, %arg10: memref<!tpu.dma_semaphore, #tpu.memory_space<semaphore_mem>>, %arg11: memref<!tpu.dma_semaphore, #tpu.memory_space<semaphore_mem>>, %arg12: memref<!tpu.dma_semaphore, #tpu.memory_space<semaphore_mem>>, %arg13: memref<!tpu.dma_semaphore, #tpu.memory_space<semaphore_mem>>, %arg14: memref<!tpu.dma_semaphore, #tpu.memory_space<semaphore_mem>>, %arg15: memref<!tpu.dma_semaphore, #tpu.memory_space<semaphore_mem>>, %arg16: memref<!tpu.dma_semaphore, #tpu.memory_space<semaphore_mem>>, %arg17: memref<!tpu.dma_semaphore, #tpu.memory_space<semaphore_mem>>, %arg18: memref<!tpu.dma_semaphore, #tpu.memory_space<semaphore_mem>>, %arg19: memref<!tpu.dma_semaphore, #tpu.memory_space<semaphore_mem>>) attributes {dimension_semantics = [#tpu.dimension_semantics<core_parallel>, #tpu.dimension_semantics<subcore_parallel>], iteration_bounds = array<i64: 2, 16>, scalar_prefetch = 0 : i64, scratch_operands = 15 : i64, tpu.core_type = #tpu.core_type<sc_vector_subcore>, window_params = [{transform_indices = #map}, {transform_indices = #map1}, {transform_indices = #map1}]} {
    %mul3A = arith.constant 2 : i32
    %mul3A_0 = arith.muli %arg1, %mul3A : i32
    %add3A = arith.addi %mul3A_0, %arg0 : i32
    %eq3A = arith.constant 0 : i32
    %eq3A_1 = arith.cmpi eq, %arg1, %eq3A : i32
    %convert_element_type3A = arith.extui %eq3A_1 : i1 to i32
    %cond3A = arith.constant 0 : i32
    %cond3A_2 = arith.cmpi ne, %convert_element_type3A, %cond3A : i32
    scf.if %cond3A_2 {
      "tpu.region"() ({
        %run_scoped3A = tpu.sem_alloc : memref<!tpu.dma_semaphore, #tpu.memory_space<semaphore_mem>>
        tpu.enqueue_dma source(%arg3 : memref<160x128xf32, #tpu.memory_space<hbm>>) target(%arg7 : memref<160x128xf32, #tpu.memory_space<vmem_shared>>) target_semaphore(%run_scoped3A : memref<!tpu.dma_semaphore, #tpu.memory_space<semaphore_mem>>)
        tpu.wait_dma2 semaphore(%run_scoped3A : memref<!tpu.dma_semaphore, #tpu.memory_space<semaphore_mem>>) src(%arg3 : memref<160x128xf32, #tpu.memory_space<hbm>>) dst(%arg7 : memref<160x128xf32, #tpu.memory_space<vmem_shared>>)
        tpu.yield
      }) : () -> ()
    } else {
    }
    "tpu.region"() ({
      %run_scoped3A = tpu.sem_alloc : memref<!tpu.dma_semaphore, #tpu.memory_space<semaphore_mem>>
      %dma_start3A_224 = arith.constant 0 : i32
      %dma_start3A_225 = arith.constant 0 : i32
      %dma_start3A_226 = tpu.memref_slice %arg2[%add3A, %dma_start3A_224, %dma_start3A_225] : memref<32x200x128xi32, #tpu.memory_space<hbm>> -> memref<1x200x128xi32, #tpu.memory_space<hbm>>
      %dma_start3A_227 = tpu.memref_squeeze %dma_start3A_226 : memref<1x200x128xi32, #tpu.memory_space<hbm>> -> memref<200x128xi32, #tpu.memory_space<hbm>>
      %dma_start3A_228 = arith.constant 0 : i32
      %dma_start3A_229 = arith.constant 0 : i32
      %dma_start3A_230 = tpu.memref_slice %arg2[%add3A, %dma_start3A_228, %dma_start3A_229] : memref<32x200x128xi32, #tpu.memory_space<hbm>> -> memref<1x200x128xi32, #tpu.memory_space<hbm>>
      %dma_start3A_231 = tpu.memref_squeeze %dma_start3A_230 : memref<1x200x128xi32, #tpu.memory_space<hbm>> -> memref<200x128xi32, #tpu.memory_space<hbm>>
      tpu.enqueue_dma source(%dma_start3A_231 : memref<200x128xi32, #tpu.memory_space<hbm>>) target(%arg5 : memref<200x128xi32, #tpu.memory_space<vmem>>) target_semaphore(%run_scoped3A : memref<!tpu.dma_semaphore, #tpu.memory_space<semaphore_mem>>)
      %dma_wait3A_232 = arith.constant 0 : i32
      %dma_wait3A_233 = arith.constant 0 : i32
      %dma_wait3A_234 = tpu.memref_slice %arg2[%add3A, %dma_wait3A_232, %dma_wait3A_233] : memref<32x200x128xi32, #tpu.memory_space<hbm>> -> memref<1x200x128xi32, #tpu.memory_space<hbm>>
      %dma_wait3A_235 = tpu.memref_squeeze %dma_wait3A_234 : memref<1x200x128xi32, #tpu.memory_space<hbm>> -> memref<200x128xi32, #tpu.memory_space<hbm>>
      %dma_wait3A_236 = arith.constant 0 : i32
      %dma_wait3A_237 = arith.constant 0 : i32
      %dma_wait3A_238 = tpu.memref_slice %arg2[%add3A, %dma_wait3A_236, %dma_wait3A_237] : memref<32x200x128xi32, #tpu.memory_space<hbm>> -> memref<1x200x128xi32, #tpu.memory_space<hbm>>
      %dma_wait3A_239 = tpu.memref_squeeze %dma_wait3A_238 : memref<1x200x128xi32, #tpu.memory_space<hbm>> -> memref<200x128xi32, #tpu.memory_space<hbm>>
      tpu.wait_dma2 semaphore(%run_scoped3A : memref<!tpu.dma_semaphore, #tpu.memory_space<semaphore_mem>>) src(%dma_wait3A_239 : memref<200x128xi32, #tpu.memory_space<hbm>>) dst(%arg5 : memref<200x128xi32, #tpu.memory_space<vmem>>)
      tpu.yield
    }) : () -> ()
    %barrier3A = arith.constant 0 : index
    tpu.barrier barrier_id(%barrier3A)
    %dma_start3A = arith.constant 0 : i32
    %dma_start3A_3 = arith.constant 0 : i32
    %dma_start3A_4 = arith.constant 0 : i32
    %dma_start3A_5 = arith.constant 0 : i32
    %dma_start3A_6 = tpu.memref_slice %arg6[%dma_start3A_3, %dma_start3A_4, %dma_start3A_5] : memref<6x128x128xf32, #tpu.memory_space<vmem>> -> memref<1x128x128xf32, #tpu.memory_space<vmem>>
    %dma_start3A_7 = tpu.memref_squeeze %dma_start3A_6 : memref<1x128x128xf32, #tpu.memory_space<vmem>> -> memref<128x128xf32, #tpu.memory_space<vmem>>
    %dma_start3A_8 = arith.constant 0 : i32
    %dma_start3A_9 = tpu.memref_slice %arg5[%dma_start3A, %dma_start3A_8] : memref<200x128xi32, #tpu.memory_space<vmem>> -> memref<1x128xi32, #tpu.memory_space<vmem>>
    %dma_start3A_10 = tpu.memref_squeeze %dma_start3A_9 : memref<1x128xi32, #tpu.memory_space<vmem>> -> memref<128xi32, #tpu.memory_space<vmem>>
    %dma_start3A_11 = arith.constant 0 : i32
    %dma_start3A_12 = arith.constant 0 : i32
    %dma_start3A_13 = tpu.memref_slice %arg7[%dma_start3A_11, %dma_start3A_12] : memref<160x128xf32, #tpu.memory_space<vmem_shared>> -> memref<160x128xf32, #tpu.memory_space<vmem_shared>>
    tpu.enqueue_indirect_dma source(%dma_start3A_13 : memref<160x128xf32, #tpu.memory_space<vmem_shared>>) target(%dma_start3A_7 : memref<128x128xf32, #tpu.memory_space<vmem>>) offsets(%dma_start3A_10 : memref<128xi32, #tpu.memory_space<vmem>>) semaphore(%arg8 : memref<!tpu.dma_semaphore, #tpu.memory_space<semaphore_mem>>)
    %dma_start3A_14 = arith.constant 1 : i32
    %dma_start3A_15 = arith.constant 1 : i32
    %dma_start3A_16 = arith.constant 0 : i32
    %dma_start3A_17 = arith.constant 0 : i32
    %dma_start3A_18 = tpu.memref_slice %arg6[%dma_start3A_15, %dma_start3A_16, %dma_start3A_17] : memref<6x128x128xf32, #tpu.memory_space<vmem>> -> memref<1x128x128xf32, #tpu.memory_space<vmem>>
    %dma_start3A_19 = tpu.memref_squeeze %dma_start3A_18 : memref<1x128x128xf32, #tpu.memory_space<vmem>> -> memref<128x128xf32, #tpu.memory_space<vmem>>
    %dma_start3A_20 = arith.constant 0 : i32
    %dma_start3A_21 = tpu.memref_slice %arg5[%dma_start3A_14, %dma_start3A_20] : memref<200x128xi32, #tpu.memory_space<vmem>> -> memref<1x128xi32, #tpu.memory_space<vmem>>
    %dma_start3A_22 = tpu.memref_squeeze %dma_start3A_21 : memref<1x128xi32, #tpu.memory_space<vmem>> -> memref<128xi32, #tpu.memory_space<vmem>>
    %dma_start3A_23 = arith.constant 0 : i32
    %dma_start3A_24 = arith.constant 0 : i32
    %dma_start3A_25 = tpu.memref_slice %arg7[%dma_start3A_23, %dma_start3A_24] : memref<160x128xf32, #tpu.memory_space<vmem_shared>> -> memref<160x128xf32, #tpu.memory_space<vmem_shared>>
    tpu.enqueue_indirect_dma source(%dma_start3A_25 : memref<160x128xf32, #tpu.memory_space<vmem_shared>>) target(%dma_start3A_19 : memref<128x128xf32, #tpu.memory_space<vmem>>) offsets(%dma_start3A_22 : memref<128xi32, #tpu.memory_space<vmem>>) semaphore(%arg9 : memref<!tpu.dma_semaphore, #tpu.memory_space<semaphore_mem>>)
    %dma_start3A_26 = arith.constant 2 : i32
    %dma_start3A_27 = arith.constant 2 : i32
    %dma_start3A_28 = arith.constant 0 : i32
    %dma_start3A_29 = arith.constant 0 : i32
    %dma_start3A_30 = tpu.memref_slice %arg6[%dma_start3A_27, %dma_start3A_28, %dma_start3A_29] : memref<6x128x128xf32, #tpu.memory_space<vmem>> -> memref<1x128x128xf32, #tpu.memory_space<vmem>>
    %dma_start3A_31 = tpu.memref_squeeze %dma_start3A_30 : memref<1x128x128xf32, #tpu.memory_space<vmem>> -> memref<128x128xf32, #tpu.memory_space<vmem>>
    %dma_start3A_32 = arith.constant 0 : i32
    %dma_start3A_33 = tpu.memref_slice %arg5[%dma_start3A_26, %dma_start3A_32] : memref<200x128xi32, #tpu.memory_space<vmem>> -> memref<1x128xi32, #tpu.memory_space<vmem>>
    %dma_start3A_34 = tpu.memref_squeeze %dma_start3A_33 : memref<1x128xi32, #tpu.memory_space<vmem>> -> memref<128xi32, #tpu.memory_space<vmem>>
    %dma_start3A_35 = arith.constant 0 : i32
    %dma_start3A_36 = arith.constant 0 : i32
    %dma_start3A_37 = tpu.memref_slice %arg7[%dma_start3A_35, %dma_start3A_36] : memref<160x128xf32, #tpu.memory_space<vmem_shared>> -> memref<160x128xf32, #tpu.memory_space<vmem_shared>>
    tpu.enqueue_indirect_dma source(%dma_start3A_37 : memref<160x128xf32, #tpu.memory_space<vmem_shared>>) target(%dma_start3A_31 : memref<128x128xf32, #tpu.memory_space<vmem>>) offsets(%dma_start3A_34 : memref<128xi32, #tpu.memory_space<vmem>>) semaphore(%arg10 : memref<!tpu.dma_semaphore, #tpu.memory_space<semaphore_mem>>)
    %dma_start3A_38 = arith.constant 3 : i32
    %dma_start3A_39 = arith.constant 3 : i32
    %dma_start3A_40 = arith.constant 0 : i32
    %dma_start3A_41 = arith.constant 0 : i32
    %dma_start3A_42 = tpu.memref_slice %arg6[%dma_start3A_39, %dma_start3A_40, %dma_start3A_41] : memref<6x128x128xf32, #tpu.memory_space<vmem>> -> memref<1x128x128xf32, #tpu.memory_space<vmem>>
    %dma_start3A_43 = tpu.memref_squeeze %dma_start3A_42 : memref<1x128x128xf32, #tpu.memory_space<vmem>> -> memref<128x128xf32, #tpu.memory_space<vmem>>
    %dma_start3A_44 = arith.constant 0 : i32
    %dma_start3A_45 = tpu.memref_slice %arg5[%dma_start3A_38, %dma_start3A_44] : memref<200x128xi32, #tpu.memory_space<vmem>> -> memref<1x128xi32, #tpu.memory_space<vmem>>
    %dma_start3A_46 = tpu.memref_squeeze %dma_start3A_45 : memref<1x128xi32, #tpu.memory_space<vmem>> -> memref<128xi32, #tpu.memory_space<vmem>>
    %dma_start3A_47 = arith.constant 0 : i32
    %dma_start3A_48 = arith.constant 0 : i32
    %dma_start3A_49 = tpu.memref_slice %arg7[%dma_start3A_47, %dma_start3A_48] : memref<160x128xf32, #tpu.memory_space<vmem_shared>> -> memref<160x128xf32, #tpu.memory_space<vmem_shared>>
    tpu.enqueue_indirect_dma source(%dma_start3A_49 : memref<160x128xf32, #tpu.memory_space<vmem_shared>>) target(%dma_start3A_43 : memref<128x128xf32, #tpu.memory_space<vmem>>) offsets(%dma_start3A_46 : memref<128xi32, #tpu.memory_space<vmem>>) semaphore(%arg11 : memref<!tpu.dma_semaphore, #tpu.memory_space<semaphore_mem>>)
    %scan3A = arith.constant 0 : i32
    %scan3A_50 = arith.constant 0 : i32
    %scan3A_51 = arith.constant 33 : i32
    %scan3A_52 = arith.addi %scan3A_50, %scan3A_51 : i32
    %scan3A_53 = arith.constant 1 : i32
    scf.for %scan3A_224 = %scan3A_50 to %scan3A_52 step %scan3A_53  : i32 {
      %mul3A_225 = arith.constant 6 : i32
      %mul3A_226 = arith.muli %scan3A_224, %mul3A_225 : i32
      %add3A_227 = arith.constant 0 : i32
      %add3A_228 = arith.addi %mul3A_226, %add3A_227 : i32
      %dma_wait3A_229 = arith.constant 0 : i32
      %dma_wait3A_230 = arith.constant 0 : i32
      %dma_wait3A_231 = arith.constant 0 : i32
      %dma_wait3A_232 = tpu.memref_slice %arg6[%dma_wait3A_229, %dma_wait3A_230, %dma_wait3A_231] : memref<6x128x128xf32, #tpu.memory_space<vmem>> -> memref<1x128x128xf32, #tpu.memory_space<vmem>>
      %dma_wait3A_233 = tpu.memref_squeeze %dma_wait3A_232 : memref<1x128x128xf32, #tpu.memory_space<vmem>> -> memref<128x128xf32, #tpu.memory_space<vmem>>
      %dma_wait3A_234 = arith.constant 0 : i32
      %dma_wait3A_235 = arith.constant 0 : i32
      %dma_wait3A_236 = tpu.memref_slice %arg6[%dma_wait3A_229, %dma_wait3A_234, %dma_wait3A_235] : memref<6x128x128xf32, #tpu.memory_space<vmem>> -> memref<1x128x128xf32, #tpu.memory_space<vmem>>
      %dma_wait3A_237 = tpu.memref_squeeze %dma_wait3A_236 : memref<1x128x128xf32, #tpu.memory_space<vmem>> -> memref<128x128xf32, #tpu.memory_space<vmem>>
      tpu.wait_dma2 semaphore(%arg8 : memref<!tpu.dma_semaphore, #tpu.memory_space<semaphore_mem>>) src(%arg7 : memref<160x128xf32, #tpu.memory_space<vmem_shared>>) dst(%dma_wait3A_237 : memref<128x128xf32, #tpu.memory_space<vmem>>)
      %add3A_238 = arith.constant 4 : i32
      %add3A_239 = arith.addi %add3A_228, %add3A_238 : i32
      %lt3A = arith.constant 200 : i32
      %lt3A_240 = arith.cmpi slt, %add3A_239, %lt3A : i32
      %convert_element_type3A_241 = arith.extui %lt3A_240 : i1 to i32
      %cond3A_242 = arith.constant 0 : i32
      %cond3A_243 = arith.cmpi ne, %convert_element_type3A_241, %cond3A_242 : i32
      scf.if %cond3A_243 {
        %ge3A = arith.constant 2 : i32
        %ge3A_452 = arith.cmpi sge, %add3A_228, %ge3A : i32
        %convert_element_type3A_453 = arith.extui %ge3A_452 : i1 to i32
        %cond3A_454 = arith.constant 0 : i32
        %cond3A_455 = arith.cmpi ne, %convert_element_type3A_453, %cond3A_454 : i32
        scf.if %cond3A_455 {
          %sub3A = arith.constant 2 : i32
          %sub3A_469 = arith.subi %add3A_228, %sub3A : i32
          %mul3A_470 = arith.constant 200 : i32
          %mul3A_471 = arith.muli %add3A, %mul3A_470 : i32
          %add3A_472 = arith.addi %mul3A_471, %sub3A_469 : i32
          %mul3A_473 = arith.constant 128 : i32
          %mul3A_474 = arith.muli %add3A_472, %mul3A_473 : i32
          %dma_wait3A_475 = arith.constant 4 : i32
          %dma_wait3A_476 = arith.constant 0 : i32
          %dma_wait3A_477 = arith.constant 0 : i32
          %dma_wait3A_478 = tpu.memref_slice %arg6[%dma_wait3A_475, %dma_wait3A_476, %dma_wait3A_477] : memref<6x128x128xf32, #tpu.memory_space<vmem>> -> memref<1x128x128xf32, #tpu.memory_space<vmem>>
          %dma_wait3A_479 = tpu.memref_squeeze %dma_wait3A_478 : memref<1x128x128xf32, #tpu.memory_space<vmem>> -> memref<128x128xf32, #tpu.memory_space<vmem>>
          %dma_wait3A_480 = arith.constant 0 : i32
          %dma_wait3A_481 = tpu.memref_slice %arg4[%mul3A_474, %dma_wait3A_480] : memref<819200x128xf32, #tpu.memory_space<hbm>> -> memref<128x128xf32, #tpu.memory_space<hbm>>
          %dma_wait3A_482 = arith.constant 0 : i32
          %dma_wait3A_483 = tpu.memref_slice %arg4[%mul3A_474, %dma_wait3A_482] : memref<819200x128xf32, #tpu.memory_space<hbm>> -> memref<128x128xf32, #tpu.memory_space<hbm>>
          %dma_wait3A_484 = arith.constant 0 : i32
          %dma_wait3A_485 = arith.constant 0 : i32
          %dma_wait3A_486 = tpu.memref_slice %arg6[%dma_wait3A_475, %dma_wait3A_484, %dma_wait3A_485] : memref<6x128x128xf32, #tpu.memory_space<vmem>> -> memref<1x128x128xf32, #tpu.memory_space<vmem>>
          %dma_wait3A_487 = tpu.memref_squeeze %dma_wait3A_486 : memref<1x128x128xf32, #tpu.memory_space<vmem>> -> memref<128x128xf32, #tpu.memory_space<vmem>>
          tpu.wait_dma2 semaphore(%arg18 : memref<!tpu.dma_semaphore, #tpu.memory_space<semaphore_mem>>) src(%dma_wait3A_487 : memref<128x128xf32, #tpu.memory_space<vmem>>) dst(%dma_wait3A_483 : memref<128x128xf32, #tpu.memory_space<hbm>>)
        } else {
        }
        %add3A_456 = arith.constant 4 : i32
        %add3A_457 = arith.addi %add3A_228, %add3A_456 : i32
        %dma_start3A_458 = arith.constant 4 : i32
        %dma_start3A_459 = arith.constant 0 : i32
        %dma_start3A_460 = arith.constant 0 : i32
        %dma_start3A_461 = tpu.memref_slice %arg6[%dma_start3A_458, %dma_start3A_459, %dma_start3A_460] : memref<6x128x128xf32, #tpu.memory_space<vmem>> -> memref<1x128x128xf32, #tpu.memory_space<vmem>>
        %dma_start3A_462 = tpu.memref_squeeze %dma_start3A_461 : memref<1x128x128xf32, #tpu.memory_space<vmem>> -> memref<128x128xf32, #tpu.memory_space<vmem>>
        %dma_start3A_463 = arith.constant 0 : i32
        %dma_start3A_464 = tpu.memref_slice %arg5[%add3A_457, %dma_start3A_463] : memref<200x128xi32, #tpu.memory_space<vmem>> -> memref<1x128xi32, #tpu.memory_space<vmem>>
        %dma_start3A_465 = tpu.memref_squeeze %dma_start3A_464 : memref<1x128xi32, #tpu.memory_space<vmem>> -> memref<128xi32, #tpu.memory_space<vmem>>
        %dma_start3A_466 = arith.constant 0 : i32
        %dma_start3A_467 = arith.constant 0 : i32
        %dma_start3A_468 = tpu.memref_slice %arg7[%dma_start3A_466, %dma_start3A_467] : memref<160x128xf32, #tpu.memory_space<vmem_shared>> -> memref<160x128xf32, #tpu.memory_space<vmem_shared>>
        tpu.enqueue_indirect_dma source(%dma_start3A_468 : memref<160x128xf32, #tpu.memory_space<vmem_shared>>) target(%dma_start3A_462 : memref<128x128xf32, #tpu.memory_space<vmem>>) offsets(%dma_start3A_465 : memref<128xi32, #tpu.memory_space<vmem>>) semaphore(%arg12 : memref<!tpu.dma_semaphore, #tpu.memory_space<semaphore_mem>>)
      } else {
      }
      %mul3A_244 = arith.constant 200 : i32
      %mul3A_245 = arith.muli %add3A, %mul3A_244 : i32
      %add3A_246 = arith.addi %mul3A_245, %add3A_228 : i32
      %mul3A_247 = arith.constant 128 : i32
      %mul3A_248 = arith.muli %add3A_246, %mul3A_247 : i32
      %dma_start3A_249 = arith.constant 0 : i32
      %dma_start3A_250 = arith.constant 0 : i32
      %dma_start3A_251 = arith.constant 0 : i32
      %dma_start3A_252 = tpu.memref_slice %arg6[%dma_start3A_249, %dma_start3A_250, %dma_start3A_251] : memref<6x128x128xf32, #tpu.memory_space<vmem>> -> memref<1x128x128xf32, #tpu.memory_space<vmem>>
      %dma_start3A_253 = tpu.memref_squeeze %dma_start3A_252 : memref<1x128x128xf32, #tpu.memory_space<vmem>> -> memref<128x128xf32, #tpu.memory_space<vmem>>
      %dma_start3A_254 = arith.constant 0 : i32
      %dma_start3A_255 = tpu.memref_slice %arg4[%mul3A_248, %dma_start3A_254] : memref<819200x128xf32, #tpu.memory_space<hbm>> -> memref<128x128xf32, #tpu.memory_space<hbm>>
      %dma_start3A_256 = arith.constant 0 : i32
      %dma_start3A_257 = tpu.memref_slice %arg4[%mul3A_248, %dma_start3A_256] : memref<819200x128xf32, #tpu.memory_space<hbm>> -> memref<128x128xf32, #tpu.memory_space<hbm>>
      %dma_start3A_258 = arith.constant 0 : i32
      %dma_start3A_259 = arith.constant 0 : i32
      %dma_start3A_260 = tpu.memref_slice %arg6[%dma_start3A_249, %dma_start3A_258, %dma_start3A_259] : memref<6x128x128xf32, #tpu.memory_space<vmem>> -> memref<1x128x128xf32, #tpu.memory_space<vmem>>
      %dma_start3A_261 = tpu.memref_squeeze %dma_start3A_260 : memref<1x128x128xf32, #tpu.memory_space<vmem>> -> memref<128x128xf32, #tpu.memory_space<vmem>>
      tpu.enqueue_dma source(%dma_start3A_261 : memref<128x128xf32, #tpu.memory_space<vmem>>) target(%dma_start3A_257 : memref<128x128xf32, #tpu.memory_space<hbm>>) target_semaphore(%arg14 : memref<!tpu.dma_semaphore, #tpu.memory_space<semaphore_mem>>)
      %mul3A_262 = arith.constant 6 : i32
      %mul3A_263 = arith.muli %scan3A_224, %mul3A_262 : i32
      %add3A_264 = arith.constant 1 : i32
      %add3A_265 = arith.addi %mul3A_263, %add3A_264 : i32
      %dma_wait3A_266 = arith.constant 1 : i32
      %dma_wait3A_267 = arith.constant 0 : i32
      %dma_wait3A_268 = arith.constant 0 : i32
      %dma_wait3A_269 = tpu.memref_slice %arg6[%dma_wait3A_266, %dma_wait3A_267, %dma_wait3A_268] : memref<6x128x128xf32, #tpu.memory_space<vmem>> -> memref<1x128x128xf32, #tpu.memory_space<vmem>>
      %dma_wait3A_270 = tpu.memref_squeeze %dma_wait3A_269 : memref<1x128x128xf32, #tpu.memory_space<vmem>> -> memref<128x128xf32, #tpu.memory_space<vmem>>
      %dma_wait3A_271 = arith.constant 0 : i32
      %dma_wait3A_272 = arith.constant 0 : i32
      %dma_wait3A_273 = tpu.memref_slice %arg6[%dma_wait3A_266, %dma_wait3A_271, %dma_wait3A_272] : memref<6x128x128xf32, #tpu.memory_space<vmem>> -> memref<1x128x128xf32, #tpu.memory_space<vmem>>
      %dma_wait3A_274 = tpu.memref_squeeze %dma_wait3A_273 : memref<1x128x128xf32, #tpu.memory_space<vmem>> -> memref<128x128xf32, #tpu.memory_space<vmem>>
      tpu.wait_dma2 semaphore(%arg9 : memref<!tpu.dma_semaphore, #tpu.memory_space<semaphore_mem>>) src(%arg7 : memref<160x128xf32, #tpu.memory_space<vmem_shared>>) dst(%dma_wait3A_274 : memref<128x128xf32, #tpu.memory_space<vmem>>)
      %add3A_275 = arith.constant 4 : i32
      %add3A_276 = arith.addi %add3A_265, %add3A_275 : i32
      %lt3A_277 = arith.constant 200 : i32
      %lt3A_278 = arith.cmpi slt, %add3A_276, %lt3A_277 : i32
      %convert_element_type3A_279 = arith.extui %lt3A_278 : i1 to i32
      %cond3A_280 = arith.constant 0 : i32
      %cond3A_281 = arith.cmpi ne, %convert_element_type3A_279, %cond3A_280 : i32
      scf.if %cond3A_281 {
        %ge3A = arith.constant 2 : i32
        %ge3A_452 = arith.cmpi sge, %add3A_265, %ge3A : i32
        %convert_element_type3A_453 = arith.extui %ge3A_452 : i1 to i32
        %cond3A_454 = arith.constant 0 : i32
        %cond3A_455 = arith.cmpi ne, %convert_element_type3A_453, %cond3A_454 : i32
        scf.if %cond3A_455 {
          %sub3A = arith.constant 2 : i32
          %sub3A_469 = arith.subi %add3A_265, %sub3A : i32
          %mul3A_470 = arith.constant 200 : i32
          %mul3A_471 = arith.muli %add3A, %mul3A_470 : i32
          %add3A_472 = arith.addi %mul3A_471, %sub3A_469 : i32
          %mul3A_473 = arith.constant 128 : i32
          %mul3A_474 = arith.muli %add3A_472, %mul3A_473 : i32
          %dma_wait3A_475 = arith.constant 5 : i32
          %dma_wait3A_476 = arith.constant 0 : i32
          %dma_wait3A_477 = arith.constant 0 : i32
          %dma_wait3A_478 = tpu.memref_slice %arg6[%dma_wait3A_475, %dma_wait3A_476, %dma_wait3A_477] : memref<6x128x128xf32, #tpu.memory_space<vmem>> -> memref<1x128x128xf32, #tpu.memory_space<vmem>>
          %dma_wait3A_479 = tpu.memref_squeeze %dma_wait3A_478 : memref<1x128x128xf32, #tpu.memory_space<vmem>> -> memref<128x128xf32, #tpu.memory_space<vmem>>
          %dma_wait3A_480 = arith.constant 0 : i32
          %dma_wait3A_481 = tpu.memref_slice %arg4[%mul3A_474, %dma_wait3A_480] : memref<819200x128xf32, #tpu.memory_space<hbm>> -> memref<128x128xf32, #tpu.memory_space<hbm>>
          %dma_wait3A_482 = arith.constant 0 : i32
          %dma_wait3A_483 = tpu.memref_slice %arg4[%mul3A_474, %dma_wait3A_482] : memref<819200x128xf32, #tpu.memory_space<hbm>> -> memref<128x128xf32, #tpu.memory_space<hbm>>
          %dma_wait3A_484 = arith.constant 0 : i32
          %dma_wait3A_485 = arith.constant 0 : i32
          %dma_wait3A_486 = tpu.memref_slice %arg6[%dma_wait3A_475, %dma_wait3A_484, %dma_wait3A_485] : memref<6x128x128xf32, #tpu.memory_space<vmem>> -> memref<1x128x128xf32, #tpu.memory_space<vmem>>
          %dma_wait3A_487 = tpu.memref_squeeze %dma_wait3A_486 : memref<1x128x128xf32, #tpu.memory_space<vmem>> -> memref<128x128xf32, #tpu.memory_space<vmem>>
          tpu.wait_dma2 semaphore(%arg19 : memref<!tpu.dma_semaphore, #tpu.memory_space<semaphore_mem>>) src(%dma_wait3A_487 : memref<128x128xf32, #tpu.memory_space<vmem>>) dst(%dma_wait3A_483 : memref<128x128xf32, #tpu.memory_space<hbm>>)
        } else {
        }
        %add3A_456 = arith.constant 4 : i32
        %add3A_457 = arith.addi %add3A_265, %add3A_456 : i32
        %dma_start3A_458 = arith.constant 5 : i32
        %dma_start3A_459 = arith.constant 0 : i32
        %dma_start3A_460 = arith.constant 0 : i32
        %dma_start3A_461 = tpu.memref_slice %arg6[%dma_start3A_458, %dma_start3A_459, %dma_start3A_460] : memref<6x128x128xf32, #tpu.memory_space<vmem>> -> memref<1x128x128xf32, #tpu.memory_space<vmem>>
        %dma_start3A_462 = tpu.memref_squeeze %dma_start3A_461 : memref<1x128x128xf32, #tpu.memory_space<vmem>> -> memref<128x128xf32, #tpu.memory_space<vmem>>
        %dma_start3A_463 = arith.constant 0 : i32
        %dma_start3A_464 = tpu.memref_slice %arg5[%add3A_457, %dma_start3A_463] : memref<200x128xi32, #tpu.memory_space<vmem>> -> memref<1x128xi32, #tpu.memory_space<vmem>>
        %dma_start3A_465 = tpu.memref_squeeze %dma_start3A_464 : memref<1x128xi32, #tpu.memory_space<vmem>> -> memref<128xi32, #tpu.memory_space<vmem>>
        %dma_start3A_466 = arith.constant 0 : i32
        %dma_start3A_467 = arith.constant 0 : i32
        %dma_start3A_468 = tpu.memref_slice %arg7[%dma_start3A_466, %dma_start3A_467] : memref<160x128xf32, #tpu.memory_space<vmem_shared>> -> memref<160x128xf32, #tpu.memory_space<vmem_shared>>
        tpu.enqueue_indirect_dma source(%dma_start3A_468 : memref<160x128xf32, #tpu.memory_space<vmem_shared>>) target(%dma_start3A_462 : memref<128x128xf32, #tpu.memory_space<vmem>>) offsets(%dma_start3A_465 : memref<128xi32, #tpu.memory_space<vmem>>) semaphore(%arg13 : memref<!tpu.dma_semaphore, #tpu.memory_space<semaphore_mem>>)
      } else {
      }
      %mul3A_282 = arith.constant 200 : i32
      %mul3A_283 = arith.muli %add3A, %mul3A_282 : i32
      %add3A_284 = arith.addi %mul3A_283, %add3A_265 : i32
      %mul3A_285 = arith.constant 128 : i32
      %mul3A_286 = arith.muli %add3A_284, %mul3A_285 : i32
      %dma_start3A_287 = arith.constant 1 : i32
      %dma_start3A_288 = arith.constant 0 : i32
      %dma_start3A_289 = arith.constant 0 : i32
      %dma_start3A_290 = tpu.memref_slice %arg6[%dma_start3A_287, %dma_start3A_288, %dma_start3A_289] : memref<6x128x128xf32, #tpu.memory_space<vmem>> -> memref<1x128x128xf32, #tpu.memory_space<vmem>>
      %dma_start3A_291 = tpu.memref_squeeze %dma_start3A_290 : memref<1x128x128xf32, #tpu.memory_space<vmem>> -> memref<128x128xf32, #tpu.memory_space<vmem>>
      %dma_start3A_292 = arith.constant 0 : i32
      %dma_start3A_293 = tpu.memref_slice %arg4[%mul3A_286, %dma_start3A_292] : memref<819200x128xf32, #tpu.memory_space<hbm>> -> memref<128x128xf32, #tpu.memory_space<hbm>>
      %dma_start3A_294 = arith.constant 0 : i32
      %dma_start3A_295 = tpu.memref_slice %arg4[%mul3A_286, %dma_start3A_294] : memref<819200x128xf32, #tpu.memory_space<hbm>> -> memref<128x128xf32, #tpu.memory_space<hbm>>
      %dma_start3A_296 = arith.constant 0 : i32
      %dma_start3A_297 = arith.constant 0 : i32
      %dma_start3A_298 = tpu.memref_slice %arg6[%dma_start3A_287, %dma_start3A_296, %dma_start3A_297] : memref<6x128x128xf32, #tpu.memory_space<vmem>> -> memref<1x128x128xf32, #tpu.memory_space<vmem>>
      %dma_start3A_299 = tpu.memref_squeeze %dma_start3A_298 : memref<1x128x128xf32, #tpu.memory_space<vmem>> -> memref<128x128xf32, #tpu.memory_space<vmem>>
      tpu.enqueue_dma source(%dma_start3A_299 : memref<128x128xf32, #tpu.memory_space<vmem>>) target(%dma_start3A_295 : memref<128x128xf32, #tpu.memory_space<hbm>>) target_semaphore(%arg15 : memref<!tpu.dma_semaphore, #tpu.memory_space<semaphore_mem>>)
      %mul3A_300 = arith.constant 6 : i32
      %mul3A_301 = arith.muli %scan3A_224, %mul3A_300 : i32
      %add3A_302 = arith.constant 2 : i32
      %add3A_303 = arith.addi %mul3A_301, %add3A_302 : i32
      %dma_wait3A_304 = arith.constant 2 : i32
      %dma_wait3A_305 = arith.constant 0 : i32
      %dma_wait3A_306 = arith.constant 0 : i32
      %dma_wait3A_307 = tpu.memref_slice %arg6[%dma_wait3A_304, %dma_wait3A_305, %dma_wait3A_306] : memref<6x128x128xf32, #tpu.memory_space<vmem>> -> memref<1x128x128xf32, #tpu.memory_space<vmem>>
      %dma_wait3A_308 = tpu.memref_squeeze %dma_wait3A_307 : memref<1x128x128xf32, #tpu.memory_space<vmem>> -> memref<128x128xf32, #tpu.memory_space<vmem>>
      %dma_wait3A_309 = arith.constant 0 : i32
      %dma_wait3A_310 = arith.constant 0 : i32
      %dma_wait3A_311 = tpu.memref_slice %arg6[%dma_wait3A_304, %dma_wait3A_309, %dma_wait3A_310] : memref<6x128x128xf32, #tpu.memory_space<vmem>> -> memref<1x128x128xf32, #tpu.memory_space<vmem>>
      %dma_wait3A_312 = tpu.memref_squeeze %dma_wait3A_311 : memref<1x128x128xf32, #tpu.memory_space<vmem>> -> memref<128x128xf32, #tpu.memory_space<vmem>>
      tpu.wait_dma2 semaphore(%arg10 : memref<!tpu.dma_semaphore, #tpu.memory_space<semaphore_mem>>) src(%arg7 : memref<160x128xf32, #tpu.memory_space<vmem_shared>>) dst(%dma_wait3A_312 : memref<128x128xf32, #tpu.memory_space<vmem>>)
      %add3A_313 = arith.constant 4 : i32
      %add3A_314 = arith.addi %add3A_303, %add3A_313 : i32
      %lt3A_315 = arith.constant 200 : i32
      %lt3A_316 = arith.cmpi slt, %add3A_314, %lt3A_315 : i32
      %convert_element_type3A_317 = arith.extui %lt3A_316 : i1 to i32
      %cond3A_318 = arith.constant 0 : i32
      %cond3A_319 = arith.cmpi ne, %convert_element_type3A_317, %cond3A_318 : i32
      scf.if %cond3A_319 {
        %ge3A = arith.constant 2 : i32
        %ge3A_452 = arith.cmpi sge, %add3A_303, %ge3A : i32
        %convert_element_type3A_453 = arith.extui %ge3A_452 : i1 to i32
        %cond3A_454 = arith.constant 0 : i32
        %cond3A_455 = arith.cmpi ne, %convert_element_type3A_453, %cond3A_454 : i32
        scf.if %cond3A_455 {
          %sub3A = arith.constant 2 : i32
          %sub3A_469 = arith.subi %add3A_303, %sub3A : i32
          %mul3A_470 = arith.constant 200 : i32
          %mul3A_471 = arith.muli %add3A, %mul3A_470 : i32
          %add3A_472 = arith.addi %mul3A_471, %sub3A_469 : i32
          %mul3A_473 = arith.constant 128 : i32
          %mul3A_474 = arith.muli %add3A_472, %mul3A_473 : i32
          %dma_wait3A_475 = arith.constant 0 : i32
          %dma_wait3A_476 = arith.constant 0 : i32
          %dma_wait3A_477 = arith.constant 0 : i32
          %dma_wait3A_478 = tpu.memref_slice %arg6[%dma_wait3A_475, %dma_wait3A_476, %dma_wait3A_477] : memref<6x128x128xf32, #tpu.memory_space<vmem>> -> memref<1x128x128xf32, #tpu.memory_space<vmem>>
          %dma_wait3A_479 = tpu.memref_squeeze %dma_wait3A_478 : memref<1x128x128xf32, #tpu.memory_space<vmem>> -> memref<128x128xf32, #tpu.memory_space<vmem>>
          %dma_wait3A_480 = arith.constant 0 : i32
          %dma_wait3A_481 = tpu.memref_slice %arg4[%mul3A_474, %dma_wait3A_480] : memref<819200x128xf32, #tpu.memory_space<hbm>> -> memref<128x128xf32, #tpu.memory_space<hbm>>
          %dma_wait3A_482 = arith.constant 0 : i32
          %dma_wait3A_483 = tpu.memref_slice %arg4[%mul3A_474, %dma_wait3A_482] : memref<819200x128xf32, #tpu.memory_space<hbm>> -> memref<128x128xf32, #tpu.memory_space<hbm>>
          %dma_wait3A_484 = arith.constant 0 : i32
          %dma_wait3A_485 = arith.constant 0 : i32
          %dma_wait3A_486 = tpu.memref_slice %arg6[%dma_wait3A_475, %dma_wait3A_484, %dma_wait3A_485] : memref<6x128x128xf32, #tpu.memory_space<vmem>> -> memref<1x128x128xf32, #tpu.memory_space<vmem>>
          %dma_wait3A_487 = tpu.memref_squeeze %dma_wait3A_486 : memref<1x128x128xf32, #tpu.memory_space<vmem>> -> memref<128x128xf32, #tpu.memory_space<vmem>>
          tpu.wait_dma2 semaphore(%arg14 : memref<!tpu.dma_semaphore, #tpu.memory_space<semaphore_mem>>) src(%dma_wait3A_487 : memref<128x128xf32, #tpu.memory_space<vmem>>) dst(%dma_wait3A_483 : memref<128x128xf32, #tpu.memory_space<hbm>>)
        } else {
        }
        %add3A_456 = arith.constant 4 : i32
        %add3A_457 = arith.addi %add3A_303, %add3A_456 : i32
        %dma_start3A_458 = arith.constant 0 : i32
        %dma_start3A_459 = arith.constant 0 : i32
        %dma_start3A_460 = arith.constant 0 : i32
        %dma_start3A_461 = tpu.memref_slice %arg6[%dma_start3A_458, %dma_start3A_459, %dma_start3A_460] : memref<6x128x128xf32, #tpu.memory_space<vmem>> -> memref<1x128x128xf32, #tpu.memory_space<vmem>>
        %dma_start3A_462 = tpu.memref_squeeze %dma_start3A_461 : memref<1x128x128xf32, #tpu.memory_space<vmem>> -> memref<128x128xf32, #tpu.memory_space<vmem>>
        %dma_start3A_463 = arith.constant 0 : i32
        %dma_start3A_464 = tpu.memref_slice %arg5[%add3A_457, %dma_start3A_463] : memref<200x128xi32, #tpu.memory_space<vmem>> -> memref<1x128xi32, #tpu.memory_space<vmem>>
        %dma_start3A_465 = tpu.memref_squeeze %dma_start3A_464 : memref<1x128xi32, #tpu.memory_space<vmem>> -> memref<128xi32, #tpu.memory_space<vmem>>
        %dma_start3A_466 = arith.constant 0 : i32
        %dma_start3A_467 = arith.constant 0 : i32
        %dma_start3A_468 = tpu.memref_slice %arg7[%dma_start3A_466, %dma_start3A_467] : memref<160x128xf32, #tpu.memory_space<vmem_shared>> -> memref<160x128xf32, #tpu.memory_space<vmem_shared>>
        tpu.enqueue_indirect_dma source(%dma_start3A_468 : memref<160x128xf32, #tpu.memory_space<vmem_shared>>) target(%dma_start3A_462 : memref<128x128xf32, #tpu.memory_space<vmem>>) offsets(%dma_start3A_465 : memref<128xi32, #tpu.memory_space<vmem>>) semaphore(%arg8 : memref<!tpu.dma_semaphore, #tpu.memory_space<semaphore_mem>>)
      } else {
      }
      %mul3A_320 = arith.constant 200 : i32
      %mul3A_321 = arith.muli %add3A, %mul3A_320 : i32
      %add3A_322 = arith.addi %mul3A_321, %add3A_303 : i32
      %mul3A_323 = arith.constant 128 : i32
      %mul3A_324 = arith.muli %add3A_322, %mul3A_323 : i32
      %dma_start3A_325 = arith.constant 2 : i32
      %dma_start3A_326 = arith.constant 0 : i32
      %dma_start3A_327 = arith.constant 0 : i32
      %dma_start3A_328 = tpu.memref_slice %arg6[%dma_start3A_325, %dma_start3A_326, %dma_start3A_327] : memref<6x128x128xf32, #tpu.memory_space<vmem>> -> memref<1x128x128xf32, #tpu.memory_space<vmem>>
      %dma_start3A_329 = tpu.memref_squeeze %dma_start3A_328 : memref<1x128x128xf32, #tpu.memory_space<vmem>> -> memref<128x128xf32, #tpu.memory_space<vmem>>
      %dma_start3A_330 = arith.constant 0 : i32
      %dma_start3A_331 = tpu.memref_slice %arg4[%mul3A_324, %dma_start3A_330] : memref<819200x128xf32, #tpu.memory_space<hbm>> -> memref<128x128xf32, #tpu.memory_space<hbm>>
      %dma_start3A_332 = arith.constant 0 : i32
      %dma_start3A_333 = tpu.memref_slice %arg4[%mul3A_324, %dma_start3A_332] : memref<819200x128xf32, #tpu.memory_space<hbm>> -> memref<128x128xf32, #tpu.memory_space<hbm>>
      %dma_start3A_334 = arith.constant 0 : i32
      %dma_start3A_335 = arith.constant 0 : i32
      %dma_start3A_336 = tpu.memref_slice %arg6[%dma_start3A_325, %dma_start3A_334, %dma_start3A_335] : memref<6x128x128xf32, #tpu.memory_space<vmem>> -> memref<1x128x128xf32, #tpu.memory_space<vmem>>
      %dma_start3A_337 = tpu.memref_squeeze %dma_start3A_336 : memref<1x128x128xf32, #tpu.memory_space<vmem>> -> memref<128x128xf32, #tpu.memory_space<vmem>>
      tpu.enqueue_dma source(%dma_start3A_337 : memref<128x128xf32, #tpu.memory_space<vmem>>) target(%dma_start3A_333 : memref<128x128xf32, #tpu.memory_space<hbm>>) target_semaphore(%arg16 : memref<!tpu.dma_semaphore, #tpu.memory_space<semaphore_mem>>)
      %mul3A_338 = arith.constant 6 : i32
      %mul3A_339 = arith.muli %scan3A_224, %mul3A_338 : i32
      %add3A_340 = arith.constant 3 : i32
      %add3A_341 = arith.addi %mul3A_339, %add3A_340 : i32
      %dma_wait3A_342 = arith.constant 3 : i32
      %dma_wait3A_343 = arith.constant 0 : i32
      %dma_wait3A_344 = arith.constant 0 : i32
      %dma_wait3A_345 = tpu.memref_slice %arg6[%dma_wait3A_342, %dma_wait3A_343, %dma_wait3A_344] : memref<6x128x128xf32, #tpu.memory_space<vmem>> -> memref<1x128x128xf32, #tpu.memory_space<vmem>>
      %dma_wait3A_346 = tpu.memref_squeeze %dma_wait3A_345 : memref<1x128x128xf32, #tpu.memory_space<vmem>> -> memref<128x128xf32, #tpu.memory_space<vmem>>
      %dma_wait3A_347 = arith.constant 0 : i32
      %dma_wait3A_348 = arith.constant 0 : i32
      %dma_wait3A_349 = tpu.memref_slice %arg6[%dma_wait3A_342, %dma_wait3A_347, %dma_wait3A_348] : memref<6x128x128xf32, #tpu.memory_space<vmem>> -> memref<1x128x128xf32, #tpu.memory_space<vmem>>
      %dma_wait3A_350 = tpu.memref_squeeze %dma_wait3A_349 : memref<1x128x128xf32, #tpu.memory_space<vmem>> -> memref<128x128xf32, #tpu.memory_space<vmem>>
      tpu.wait_dma2 semaphore(%arg11 : memref<!tpu.dma_semaphore, #tpu.memory_space<semaphore_mem>>) src(%arg7 : memref<160x128xf32, #tpu.memory_space<vmem_shared>>) dst(%dma_wait3A_350 : memref<128x128xf32, #tpu.memory_space<vmem>>)
      %add3A_351 = arith.constant 4 : i32
      %add3A_352 = arith.addi %add3A_341, %add3A_351 : i32
      %lt3A_353 = arith.constant 200 : i32
      %lt3A_354 = arith.cmpi slt, %add3A_352, %lt3A_353 : i32
      %convert_element_type3A_355 = arith.extui %lt3A_354 : i1 to i32
      %cond3A_356 = arith.constant 0 : i32
      %cond3A_357 = arith.cmpi ne, %convert_element_type3A_355, %cond3A_356 : i32
      scf.if %cond3A_357 {
        %ge3A = arith.constant 2 : i32
        %ge3A_452 = arith.cmpi sge, %add3A_341, %ge3A : i32
        %convert_element_type3A_453 = arith.extui %ge3A_452 : i1 to i32
        %cond3A_454 = arith.constant 0 : i32
        %cond3A_455 = arith.cmpi ne, %convert_element_type3A_453, %cond3A_454 : i32
        scf.if %cond3A_455 {
          %sub3A = arith.constant 2 : i32
          %sub3A_469 = arith.subi %add3A_341, %sub3A : i32
          %mul3A_470 = arith.constant 200 : i32
          %mul3A_471 = arith.muli %add3A, %mul3A_470 : i32
          %add3A_472 = arith.addi %mul3A_471, %sub3A_469 : i32
          %mul3A_473 = arith.constant 128 : i32
          %mul3A_474 = arith.muli %add3A_472, %mul3A_473 : i32
          %dma_wait3A_475 = arith.constant 1 : i32
          %dma_wait3A_476 = arith.constant 0 : i32
          %dma_wait3A_477 = arith.constant 0 : i32
          %dma_wait3A_478 = tpu.memref_slice %arg6[%dma_wait3A_475, %dma_wait3A_476, %dma_wait3A_477] : memref<6x128x128xf32, #tpu.memory_space<vmem>> -> memref<1x128x128xf32, #tpu.memory_space<vmem>>
          %dma_wait3A_479 = tpu.memref_squeeze %dma_wait3A_478 : memref<1x128x128xf32, #tpu.memory_space<vmem>> -> memref<128x128xf32, #tpu.memory_space<vmem>>
          %dma_wait3A_480 = arith.constant 0 : i32
          %dma_wait3A_481 = tpu.memref_slice %arg4[%mul3A_474, %dma_wait3A_480] : memref<819200x128xf32, #tpu.memory_space<hbm>> -> memref<128x128xf32, #tpu.memory_space<hbm>>
          %dma_wait3A_482 = arith.constant 0 : i32
          %dma_wait3A_483 = tpu.memref_slice %arg4[%mul3A_474, %dma_wait3A_482] : memref<819200x128xf32, #tpu.memory_space<hbm>> -> memref<128x128xf32, #tpu.memory_space<hbm>>
          %dma_wait3A_484 = arith.constant 0 : i32
          %dma_wait3A_485 = arith.constant 0 : i32
          %dma_wait3A_486 = tpu.memref_slice %arg6[%dma_wait3A_475, %dma_wait3A_484, %dma_wait3A_485] : memref<6x128x128xf32, #tpu.memory_space<vmem>> -> memref<1x128x128xf32, #tpu.memory_space<vmem>>
          %dma_wait3A_487 = tpu.memref_squeeze %dma_wait3A_486 : memref<1x128x128xf32, #tpu.memory_space<vmem>> -> memref<128x128xf32, #tpu.memory_space<vmem>>
          tpu.wait_dma2 semaphore(%arg15 : memref<!tpu.dma_semaphore, #tpu.memory_space<semaphore_mem>>) src(%dma_wait3A_487 : memref<128x128xf32, #tpu.memory_space<vmem>>) dst(%dma_wait3A_483 : memref<128x128xf32, #tpu.memory_space<hbm>>)
        } else {
        }
        %add3A_456 = arith.constant 4 : i32
        %add3A_457 = arith.addi %add3A_341, %add3A_456 : i32
        %dma_start3A_458 = arith.constant 1 : i32
        %dma_start3A_459 = arith.constant 0 : i32
        %dma_start3A_460 = arith.constant 0 : i32
        %dma_start3A_461 = tpu.memref_slice %arg6[%dma_start3A_458, %dma_start3A_459, %dma_start3A_460] : memref<6x128x128xf32, #tpu.memory_space<vmem>> -> memref<1x128x128xf32, #tpu.memory_space<vmem>>
        %dma_start3A_462 = tpu.memref_squeeze %dma_start3A_461 : memref<1x128x128xf32, #tpu.memory_space<vmem>> -> memref<128x128xf32, #tpu.memory_space<vmem>>
        %dma_start3A_463 = arith.constant 0 : i32
        %dma_start3A_464 = tpu.memref_slice %arg5[%add3A_457, %dma_start3A_463] : memref<200x128xi32, #tpu.memory_space<vmem>> -> memref<1x128xi32, #tpu.memory_space<vmem>>
        %dma_start3A_465 = tpu.memref_squeeze %dma_start3A_464 : memref<1x128xi32, #tpu.memory_space<vmem>> -> memref<128xi32, #tpu.memory_space<vmem>>
        %dma_start3A_466 = arith.constant 0 : i32
        %dma_start3A_467 = arith.constant 0 : i32
        %dma_start3A_468 = tpu.memref_slice %arg7[%dma_start3A_466, %dma_start3A_467] : memref<160x128xf32, #tpu.memory_space<vmem_shared>> -> memref<160x128xf32, #tpu.memory_space<vmem_shared>>
        tpu.enqueue_indirect_dma source(%dma_start3A_468 : memref<160x128xf32, #tpu.memory_space<vmem_shared>>) target(%dma_start3A_462 : memref<128x128xf32, #tpu.memory_space<vmem>>) offsets(%dma_start3A_465 : memref<128xi32, #tpu.memory_space<vmem>>) semaphore(%arg9 : memref<!tpu.dma_semaphore, #tpu.memory_space<semaphore_mem>>)
      } else {
      }
      %mul3A_358 = arith.constant 200 : i32
      %mul3A_359 = arith.muli %add3A, %mul3A_358 : i32
      %add3A_360 = arith.addi %mul3A_359, %add3A_341 : i32
      %mul3A_361 = arith.constant 128 : i32
      %mul3A_362 = arith.muli %add3A_360, %mul3A_361 : i32
      %dma_start3A_363 = arith.constant 3 : i32
      %dma_start3A_364 = arith.constant 0 : i32
      %dma_start3A_365 = arith.constant 0 : i32
      %dma_start3A_366 = tpu.memref_slice %arg6[%dma_start3A_363, %dma_start3A_364, %dma_start3A_365] : memref<6x128x128xf32, #tpu.memory_space<vmem>> -> memref<1x128x128xf32, #tpu.memory_space<vmem>>
      %dma_start3A_367 = tpu.memref_squeeze %dma_start3A_366 : memref<1x128x128xf32, #tpu.memory_space<vmem>> -> memref<128x128xf32, #tpu.memory_space<vmem>>
      %dma_start3A_368 = arith.constant 0 : i32
      %dma_start3A_369 = tpu.memref_slice %arg4[%mul3A_362, %dma_start3A_368] : memref<819200x128xf32, #tpu.memory_space<hbm>> -> memref<128x128xf32, #tpu.memory_space<hbm>>
      %dma_start3A_370 = arith.constant 0 : i32
      %dma_start3A_371 = tpu.memref_slice %arg4[%mul3A_362, %dma_start3A_370] : memref<819200x128xf32, #tpu.memory_space<hbm>> -> memref<128x128xf32, #tpu.memory_space<hbm>>
      %dma_start3A_372 = arith.constant 0 : i32
      %dma_start3A_373 = arith.constant 0 : i32
      %dma_start3A_374 = tpu.memref_slice %arg6[%dma_start3A_363, %dma_start3A_372, %dma_start3A_373] : memref<6x128x128xf32, #tpu.memory_space<vmem>> -> memref<1x128x128xf32, #tpu.memory_space<vmem>>
      %dma_start3A_375 = tpu.memref_squeeze %dma_start3A_374 : memref<1x128x128xf32, #tpu.memory_space<vmem>> -> memref<128x128xf32, #tpu.memory_space<vmem>>
      tpu.enqueue_dma source(%dma_start3A_375 : memref<128x128xf32, #tpu.memory_space<vmem>>) target(%dma_start3A_371 : memref<128x128xf32, #tpu.memory_space<hbm>>) target_semaphore(%arg17 : memref<!tpu.dma_semaphore, #tpu.memory_space<semaphore_mem>>)
      %mul3A_376 = arith.constant 6 : i32
      %mul3A_377 = arith.muli %scan3A_224, %mul3A_376 : i32
      %add3A_378 = arith.constant 4 : i32
      %add3A_379 = arith.addi %mul3A_377, %add3A_378 : i32
      %dma_wait3A_380 = arith.constant 4 : i32
      %dma_wait3A_381 = arith.constant 0 : i32
      %dma_wait3A_382 = arith.constant 0 : i32
      %dma_wait3A_383 = tpu.memref_slice %arg6[%dma_wait3A_380, %dma_wait3A_381, %dma_wait3A_382] : memref<6x128x128xf32, #tpu.memory_space<vmem>> -> memref<1x128x128xf32, #tpu.memory_space<vmem>>
      %dma_wait3A_384 = tpu.memref_squeeze %dma_wait3A_383 : memref<1x128x128xf32, #tpu.memory_space<vmem>> -> memref<128x128xf32, #tpu.memory_space<vmem>>
      %dma_wait3A_385 = arith.constant 0 : i32
      %dma_wait3A_386 = arith.constant 0 : i32
      %dma_wait3A_387 = tpu.memref_slice %arg6[%dma_wait3A_380, %dma_wait3A_385, %dma_wait3A_386] : memref<6x128x128xf32, #tpu.memory_space<vmem>> -> memref<1x128x128xf32, #tpu.memory_space<vmem>>
      %dma_wait3A_388 = tpu.memref_squeeze %dma_wait3A_387 : memref<1x128x128xf32, #tpu.memory_space<vmem>> -> memref<128x128xf32, #tpu.memory_space<vmem>>
      tpu.wait_dma2 semaphore(%arg12 : memref<!tpu.dma_semaphore, #tpu.memory_space<semaphore_mem>>) src(%arg7 : memref<160x128xf32, #tpu.memory_space<vmem_shared>>) dst(%dma_wait3A_388 : memref<128x128xf32, #tpu.memory_space<vmem>>)
      %add3A_389 = arith.constant 4 : i32
      %add3A_390 = arith.addi %add3A_379, %add3A_389 : i32
      %lt3A_391 = arith.constant 200 : i32
      %lt3A_392 = arith.cmpi slt, %add3A_390, %lt3A_391 : i32
      %convert_element_type3A_393 = arith.extui %lt3A_392 : i1 to i32
      %cond3A_394 = arith.constant 0 : i32
      %cond3A_395 = arith.cmpi ne, %convert_element_type3A_393, %cond3A_394 : i32
      scf.if %cond3A_395 {
        %ge3A = arith.constant 2 : i32
        %ge3A_452 = arith.cmpi sge, %add3A_379, %ge3A : i32
        %convert_element_type3A_453 = arith.extui %ge3A_452 : i1 to i32
        %cond3A_454 = arith.constant 0 : i32
        %cond3A_455 = arith.cmpi ne, %convert_element_type3A_453, %cond3A_454 : i32
        scf.if %cond3A_455 {
          %sub3A = arith.constant 2 : i32
          %sub3A_469 = arith.subi %add3A_379, %sub3A : i32
          %mul3A_470 = arith.constant 200 : i32
          %mul3A_471 = arith.muli %add3A, %mul3A_470 : i32
          %add3A_472 = arith.addi %mul3A_471, %sub3A_469 : i32
          %mul3A_473 = arith.constant 128 : i32
          %mul3A_474 = arith.muli %add3A_472, %mul3A_473 : i32
          %dma_wait3A_475 = arith.constant 2 : i32
          %dma_wait3A_476 = arith.constant 0 : i32
          %dma_wait3A_477 = arith.constant 0 : i32
          %dma_wait3A_478 = tpu.memref_slice %arg6[%dma_wait3A_475, %dma_wait3A_476, %dma_wait3A_477] : memref<6x128x128xf32, #tpu.memory_space<vmem>> -> memref<1x128x128xf32, #tpu.memory_space<vmem>>
          %dma_wait3A_479 = tpu.memref_squeeze %dma_wait3A_478 : memref<1x128x128xf32, #tpu.memory_space<vmem>> -> memref<128x128xf32, #tpu.memory_space<vmem>>
          %dma_wait3A_480 = arith.constant 0 : i32
          %dma_wait3A_481 = tpu.memref_slice %arg4[%mul3A_474, %dma_wait3A_480] : memref<819200x128xf32, #tpu.memory_space<hbm>> -> memref<128x128xf32, #tpu.memory_space<hbm>>
          %dma_wait3A_482 = arith.constant 0 : i32
          %dma_wait3A_483 = tpu.memref_slice %arg4[%mul3A_474, %dma_wait3A_482] : memref<819200x128xf32, #tpu.memory_space<hbm>> -> memref<128x128xf32, #tpu.memory_space<hbm>>
          %dma_wait3A_484 = arith.constant 0 : i32
          %dma_wait3A_485 = arith.constant 0 : i32
          %dma_wait3A_486 = tpu.memref_slice %arg6[%dma_wait3A_475, %dma_wait3A_484, %dma_wait3A_485] : memref<6x128x128xf32, #tpu.memory_space<vmem>> -> memref<1x128x128xf32, #tpu.memory_space<vmem>>
          %dma_wait3A_487 = tpu.memref_squeeze %dma_wait3A_486 : memref<1x128x128xf32, #tpu.memory_space<vmem>> -> memref<128x128xf32, #tpu.memory_space<vmem>>
          tpu.wait_dma2 semaphore(%arg16 : memref<!tpu.dma_semaphore, #tpu.memory_space<semaphore_mem>>) src(%dma_wait3A_487 : memref<128x128xf32, #tpu.memory_space<vmem>>) dst(%dma_wait3A_483 : memref<128x128xf32, #tpu.memory_space<hbm>>)
        } else {
        }
        %add3A_456 = arith.constant 4 : i32
        %add3A_457 = arith.addi %add3A_379, %add3A_456 : i32
        %dma_start3A_458 = arith.constant 2 : i32
        %dma_start3A_459 = arith.constant 0 : i32
        %dma_start3A_460 = arith.constant 0 : i32
        %dma_start3A_461 = tpu.memref_slice %arg6[%dma_start3A_458, %dma_start3A_459, %dma_start3A_460] : memref<6x128x128xf32, #tpu.memory_space<vmem>> -> memref<1x128x128xf32, #tpu.memory_space<vmem>>
        %dma_start3A_462 = tpu.memref_squeeze %dma_start3A_461 : memref<1x128x128xf32, #tpu.memory_space<vmem>> -> memref<128x128xf32, #tpu.memory_space<vmem>>
        %dma_start3A_463 = arith.constant 0 : i32
        %dma_start3A_464 = tpu.memref_slice %arg5[%add3A_457, %dma_start3A_463] : memref<200x128xi32, #tpu.memory_space<vmem>> -> memref<1x128xi32, #tpu.memory_space<vmem>>
        %dma_start3A_465 = tpu.memref_squeeze %dma_start3A_464 : memref<1x128xi32, #tpu.memory_space<vmem>> -> memref<128xi32, #tpu.memory_space<vmem>>
        %dma_start3A_466 = arith.constant 0 : i32
        %dma_start3A_467 = arith.constant 0 : i32
        %dma_start3A_468 = tpu.memref_slice %arg7[%dma_start3A_466, %dma_start3A_467] : memref<160x128xf32, #tpu.memory_space<vmem_shared>> -> memref<160x128xf32, #tpu.memory_space<vmem_shared>>
        tpu.enqueue_indirect_dma source(%dma_start3A_468 : memref<160x128xf32, #tpu.memory_space<vmem_shared>>) target(%dma_start3A_462 : memref<128x128xf32, #tpu.memory_space<vmem>>) offsets(%dma_start3A_465 : memref<128xi32, #tpu.memory_space<vmem>>) semaphore(%arg10 : memref<!tpu.dma_semaphore, #tpu.memory_space<semaphore_mem>>)
      } else {
      }
      %mul3A_396 = arith.constant 200 : i32
      %mul3A_397 = arith.muli %add3A, %mul3A_396 : i32
      %add3A_398 = arith.addi %mul3A_397, %add3A_379 : i32
      %mul3A_399 = arith.constant 128 : i32
      %mul3A_400 = arith.muli %add3A_398, %mul3A_399 : i32
      %dma_start3A_401 = arith.constant 4 : i32
      %dma_start3A_402 = arith.constant 0 : i32
      %dma_start3A_403 = arith.constant 0 : i32
      %dma_start3A_404 = tpu.memref_slice %arg6[%dma_start3A_401, %dma_start3A_402, %dma_start3A_403] : memref<6x128x128xf32, #tpu.memory_space<vmem>> -> memref<1x128x128xf32, #tpu.memory_space<vmem>>
      %dma_start3A_405 = tpu.memref_squeeze %dma_start3A_404 : memref<1x128x128xf32, #tpu.memory_space<vmem>> -> memref<128x128xf32, #tpu.memory_space<vmem>>
      %dma_start3A_406 = arith.constant 0 : i32
      %dma_start3A_407 = tpu.memref_slice %arg4[%mul3A_400, %dma_start3A_406] : memref<819200x128xf32, #tpu.memory_space<hbm>> -> memref<128x128xf32, #tpu.memory_space<hbm>>
      %dma_start3A_408 = arith.constant 0 : i32
      %dma_start3A_409 = tpu.memref_slice %arg4[%mul3A_400, %dma_start3A_408] : memref<819200x128xf32, #tpu.memory_space<hbm>> -> memref<128x128xf32, #tpu.memory_space<hbm>>
      %dma_start3A_410 = arith.constant 0 : i32
      %dma_start3A_411 = arith.constant 0 : i32
      %dma_start3A_412 = tpu.memref_slice %arg6[%dma_start3A_401, %dma_start3A_410, %dma_start3A_411] : memref<6x128x128xf32, #tpu.memory_space<vmem>> -> memref<1x128x128xf32, #tpu.memory_space<vmem>>
      %dma_start3A_413 = tpu.memref_squeeze %dma_start3A_412 : memref<1x128x128xf32, #tpu.memory_space<vmem>> -> memref<128x128xf32, #tpu.memory_space<vmem>>
      tpu.enqueue_dma source(%dma_start3A_413 : memref<128x128xf32, #tpu.memory_space<vmem>>) target(%dma_start3A_409 : memref<128x128xf32, #tpu.memory_space<hbm>>) target_semaphore(%arg18 : memref<!tpu.dma_semaphore, #tpu.memory_space<semaphore_mem>>)
      %mul3A_414 = arith.constant 6 : i32
      %mul3A_415 = arith.muli %scan3A_224, %mul3A_414 : i32
      %add3A_416 = arith.constant 5 : i32
      %add3A_417 = arith.addi %mul3A_415, %add3A_416 : i32
      %dma_wait3A_418 = arith.constant 5 : i32
      %dma_wait3A_419 = arith.constant 0 : i32
      %dma_wait3A_420 = arith.constant 0 : i32
      %dma_wait3A_421 = tpu.memref_slice %arg6[%dma_wait3A_418, %dma_wait3A_419, %dma_wait3A_420] : memref<6x128x128xf32, #tpu.memory_space<vmem>> -> memref<1x128x128xf32, #tpu.memory_space<vmem>>
      %dma_wait3A_422 = tpu.memref_squeeze %dma_wait3A_421 : memref<1x128x128xf32, #tpu.memory_space<vmem>> -> memref<128x128xf32, #tpu.memory_space<vmem>>
      %dma_wait3A_423 = arith.constant 0 : i32
      %dma_wait3A_424 = arith.constant 0 : i32
      %dma_wait3A_425 = tpu.memref_slice %arg6[%dma_wait3A_418, %dma_wait3A_423, %dma_wait3A_424] : memref<6x128x128xf32, #tpu.memory_space<vmem>> -> memref<1x128x128xf32, #tpu.memory_space<vmem>>
      %dma_wait3A_426 = tpu.memref_squeeze %dma_wait3A_425 : memref<1x128x128xf32, #tpu.memory_space<vmem>> -> memref<128x128xf32, #tpu.memory_space<vmem>>
      tpu.wait_dma2 semaphore(%arg13 : memref<!tpu.dma_semaphore, #tpu.memory_space<semaphore_mem>>) src(%arg7 : memref<160x128xf32, #tpu.memory_space<vmem_shared>>) dst(%dma_wait3A_426 : memref<128x128xf32, #tpu.memory_space<vmem>>)
      %add3A_427 = arith.constant 4 : i32
      %add3A_428 = arith.addi %add3A_417, %add3A_427 : i32
      %lt3A_429 = arith.constant 200 : i32
      %lt3A_430 = arith.cmpi slt, %add3A_428, %lt3A_429 : i32
      %convert_element_type3A_431 = arith.extui %lt3A_430 : i1 to i32
      %cond3A_432 = arith.constant 0 : i32
      %cond3A_433 = arith.cmpi ne, %convert_element_type3A_431, %cond3A_432 : i32
      scf.if %cond3A_433 {
        %ge3A = arith.constant 2 : i32
        %ge3A_452 = arith.cmpi sge, %add3A_417, %ge3A : i32
        %convert_element_type3A_453 = arith.extui %ge3A_452 : i1 to i32
        %cond3A_454 = arith.constant 0 : i32
        %cond3A_455 = arith.cmpi ne, %convert_element_type3A_453, %cond3A_454 : i32
        scf.if %cond3A_455 {
          %sub3A = arith.constant 2 : i32
          %sub3A_469 = arith.subi %add3A_417, %sub3A : i32
          %mul3A_470 = arith.constant 200 : i32
          %mul3A_471 = arith.muli %add3A, %mul3A_470 : i32
          %add3A_472 = arith.addi %mul3A_471, %sub3A_469 : i32
          %mul3A_473 = arith.constant 128 : i32
          %mul3A_474 = arith.muli %add3A_472, %mul3A_473 : i32
          %dma_wait3A_475 = arith.constant 3 : i32
          %dma_wait3A_476 = arith.constant 0 : i32
          %dma_wait3A_477 = arith.constant 0 : i32
          %dma_wait3A_478 = tpu.memref_slice %arg6[%dma_wait3A_475, %dma_wait3A_476, %dma_wait3A_477] : memref<6x128x128xf32, #tpu.memory_space<vmem>> -> memref<1x128x128xf32, #tpu.memory_space<vmem>>
          %dma_wait3A_479 = tpu.memref_squeeze %dma_wait3A_478 : memref<1x128x128xf32, #tpu.memory_space<vmem>> -> memref<128x128xf32, #tpu.memory_space<vmem>>
          %dma_wait3A_480 = arith.constant 0 : i32
          %dma_wait3A_481 = tpu.memref_slice %arg4[%mul3A_474, %dma_wait3A_480] : memref<819200x128xf32, #tpu.memory_space<hbm>> -> memref<128x128xf32, #tpu.memory_space<hbm>>
          %dma_wait3A_482 = arith.constant 0 : i32
          %dma_wait3A_483 = tpu.memref_slice %arg4[%mul3A_474, %dma_wait3A_482] : memref<819200x128xf32, #tpu.memory_space<hbm>> -> memref<128x128xf32, #tpu.memory_space<hbm>>
          %dma_wait3A_484 = arith.constant 0 : i32
          %dma_wait3A_485 = arith.constant 0 : i32
          %dma_wait3A_486 = tpu.memref_slice %arg6[%dma_wait3A_475, %dma_wait3A_484, %dma_wait3A_485] : memref<6x128x128xf32, #tpu.memory_space<vmem>> -> memref<1x128x128xf32, #tpu.memory_space<vmem>>
          %dma_wait3A_487 = tpu.memref_squeeze %dma_wait3A_486 : memref<1x128x128xf32, #tpu.memory_space<vmem>> -> memref<128x128xf32, #tpu.memory_space<vmem>>
          tpu.wait_dma2 semaphore(%arg17 : memref<!tpu.dma_semaphore, #tpu.memory_space<semaphore_mem>>) src(%dma_wait3A_487 : memref<128x128xf32, #tpu.memory_space<vmem>>) dst(%dma_wait3A_483 : memref<128x128xf32, #tpu.memory_space<hbm>>)
        } else {
        }
        %add3A_456 = arith.constant 4 : i32
        %add3A_457 = arith.addi %add3A_417, %add3A_456 : i32
        %dma_start3A_458 = arith.constant 3 : i32
        %dma_start3A_459 = arith.constant 0 : i32
        %dma_start3A_460 = arith.constant 0 : i32
        %dma_start3A_461 = tpu.memref_slice %arg6[%dma_start3A_458, %dma_start3A_459, %dma_start3A_460] : memref<6x128x128xf32, #tpu.memory_space<vmem>> -> memref<1x128x128xf32, #tpu.memory_space<vmem>>
        %dma_start3A_462 = tpu.memref_squeeze %dma_start3A_461 : memref<1x128x128xf32, #tpu.memory_space<vmem>> -> memref<128x128xf32, #tpu.memory_space<vmem>>
        %dma_start3A_463 = arith.constant 0 : i32
        %dma_start3A_464 = tpu.memref_slice %arg5[%add3A_457, %dma_start3A_463] : memref<200x128xi32, #tpu.memory_space<vmem>> -> memref<1x128xi32, #tpu.memory_space<vmem>>
        %dma_start3A_465 = tpu.memref_squeeze %dma_start3A_464 : memref<1x128xi32, #tpu.memory_space<vmem>> -> memref<128xi32, #tpu.memory_space<vmem>>
        %dma_start3A_466 = arith.constant 0 : i32
        %dma_start3A_467 = arith.constant 0 : i32
        %dma_start3A_468 = tpu.memref_slice %arg7[%dma_start3A_466, %dma_start3A_467] : memref<160x128xf32, #tpu.memory_space<vmem_shared>> -> memref<160x128xf32, #tpu.memory_space<vmem_shared>>
        tpu.enqueue_indirect_dma source(%dma_start3A_468 : memref<160x128xf32, #tpu.memory_space<vmem_shared>>) target(%dma_start3A_462 : memref<128x128xf32, #tpu.memory_space<vmem>>) offsets(%dma_start3A_465 : memref<128xi32, #tpu.memory_space<vmem>>) semaphore(%arg11 : memref<!tpu.dma_semaphore, #tpu.memory_space<semaphore_mem>>)
      } else {
      }
      %mul3A_434 = arith.constant 200 : i32
      %mul3A_435 = arith.muli %add3A, %mul3A_434 : i32
      %add3A_436 = arith.addi %mul3A_435, %add3A_417 : i32
      %mul3A_437 = arith.constant 128 : i32
      %mul3A_438 = arith.muli %add3A_436, %mul3A_437 : i32
      %dma_start3A_439 = arith.constant 5 : i32
      %dma_start3A_440 = arith.constant 0 : i32
      %dma_start3A_441 = arith.constant 0 : i32
      %dma_start3A_442 = tpu.memref_slice %arg6[%dma_start3A_439, %dma_start3A_440, %dma_start3A_441] : memref<6x128x128xf32, #tpu.memory_space<vmem>> -> memref<1x128x128xf32, #tpu.memory_space<vmem>>
      %dma_start3A_443 = tpu.memref_squeeze %dma_start3A_442 : memref<1x128x128xf32, #tpu.memory_space<vmem>> -> memref<128x128xf32, #tpu.memory_space<vmem>>
      %dma_start3A_444 = arith.constant 0 : i32
      %dma_start3A_445 = tpu.memref_slice %arg4[%mul3A_438, %dma_start3A_444] : memref<819200x128xf32, #tpu.memory_space<hbm>> -> memref<128x128xf32, #tpu.memory_space<hbm>>
      %dma_start3A_446 = arith.constant 0 : i32
      %dma_start3A_447 = tpu.memref_slice %arg4[%mul3A_438, %dma_start3A_446] : memref<819200x128xf32, #tpu.memory_space<hbm>> -> memref<128x128xf32, #tpu.memory_space<hbm>>
      %dma_start3A_448 = arith.constant 0 : i32
      %dma_start3A_449 = arith.constant 0 : i32
      %dma_start3A_450 = tpu.memref_slice %arg6[%dma_start3A_439, %dma_start3A_448, %dma_start3A_449] : memref<6x128x128xf32, #tpu.memory_space<vmem>> -> memref<1x128x128xf32, #tpu.memory_space<vmem>>
      %dma_start3A_451 = tpu.memref_squeeze %dma_start3A_450 : memref<1x128x128xf32, #tpu.memory_space<vmem>> -> memref<128x128xf32, #tpu.memory_space<vmem>>
      tpu.enqueue_dma source(%dma_start3A_451 : memref<128x128xf32, #tpu.memory_space<vmem>>) target(%dma_start3A_447 : memref<128x128xf32, #tpu.memory_space<hbm>>) target_semaphore(%arg19 : memref<!tpu.dma_semaphore, #tpu.memory_space<semaphore_mem>>)
    }
    %scan3A_54 = arith.constant 33 : i32
    %dma_wait3A = arith.constant 0 : i32
    %dma_wait3A_55 = arith.constant 0 : i32
    %dma_wait3A_56 = arith.constant 0 : i32
    %dma_wait3A_57 = tpu.memref_slice %arg6[%dma_wait3A, %dma_wait3A_55, %dma_wait3A_56] : memref<6x128x128xf32, #tpu.memory_space<vmem>> -> memref<1x128x128xf32, #tpu.memory_space<vmem>>
    %dma_wait3A_58 = tpu.memref_squeeze %dma_wait3A_57 : memref<1x128x128xf32, #tpu.memory_space<vmem>> -> memref<128x128xf32, #tpu.memory_space<vmem>>
    %dma_wait3A_59 = arith.constant 0 : i32
    %dma_wait3A_60 = arith.constant 0 : i32
    %dma_wait3A_61 = tpu.memref_slice %arg6[%dma_wait3A, %dma_wait3A_59, %dma_wait3A_60] : memref<6x128x128xf32, #tpu.memory_space<vmem>> -> memref<1x128x128xf32, #tpu.memory_space<vmem>>
    %dma_wait3A_62 = tpu.memref_squeeze %dma_wait3A_61 : memref<1x128x128xf32, #tpu.memory_space<vmem>> -> memref<128x128xf32, #tpu.memory_space<vmem>>
    tpu.wait_dma2 semaphore(%arg8 : memref<!tpu.dma_semaphore, #tpu.memory_space<semaphore_mem>>) src(%arg7 : memref<160x128xf32, #tpu.memory_space<vmem_shared>>) dst(%dma_wait3A_62 : memref<128x128xf32, #tpu.memory_space<vmem>>)
    %mul3A_63 = arith.constant 200 : i32
    %mul3A_64 = arith.muli %add3A, %mul3A_63 : i32
    %add3A_65 = arith.constant 198 : i32
    %add3A_66 = arith.addi %mul3A_64, %add3A_65 : i32
    %mul3A_67 = arith.constant 128 : i32
    %mul3A_68 = arith.muli %add3A_66, %mul3A_67 : i32
    %dma_start3A_69 = arith.constant 0 : i32
    %dma_start3A_70 = arith.constant 0 : i32
    %dma_start3A_71 = arith.constant 0 : i32
    %dma_start3A_72 = tpu.memref_slice %arg6[%dma_start3A_69, %dma_start3A_70, %dma_start3A_71] : memref<6x128x128xf32, #tpu.memory_space<vmem>> -> memref<1x128x128xf32, #tpu.memory_space<vmem>>
    %dma_start3A_73 = tpu.memref_squeeze %dma_start3A_72 : memref<1x128x128xf32, #tpu.memory_space<vmem>> -> memref<128x128xf32, #tpu.memory_space<vmem>>
    %dma_start3A_74 = arith.constant 0 : i32
    %dma_start3A_75 = tpu.memref_slice %arg4[%mul3A_68, %dma_start3A_74] : memref<819200x128xf32, #tpu.memory_space<hbm>> -> memref<128x128xf32, #tpu.memory_space<hbm>>
    %dma_start3A_76 = arith.constant 0 : i32
    %dma_start3A_77 = tpu.memref_slice %arg4[%mul3A_68, %dma_start3A_76] : memref<819200x128xf32, #tpu.memory_space<hbm>> -> memref<128x128xf32, #tpu.memory_space<hbm>>
    %dma_start3A_78 = arith.constant 0 : i32
    %dma_start3A_79 = arith.constant 0 : i32
    %dma_start3A_80 = tpu.memref_slice %arg6[%dma_start3A_69, %dma_start3A_78, %dma_start3A_79] : memref<6x128x128xf32, #tpu.memory_space<vmem>> -> memref<1x128x128xf32, #tpu.memory_space<vmem>>
    %dma_start3A_81 = tpu.memref_squeeze %dma_start3A_80 : memref<1x128x128xf32, #tpu.memory_space<vmem>> -> memref<128x128xf32, #tpu.memory_space<vmem>>
    tpu.enqueue_dma source(%dma_start3A_81 : memref<128x128xf32, #tpu.memory_space<vmem>>) target(%dma_start3A_77 : memref<128x128xf32, #tpu.memory_space<hbm>>) target_semaphore(%arg14 : memref<!tpu.dma_semaphore, #tpu.memory_space<semaphore_mem>>)
    %dma_wait3A_82 = arith.constant 1 : i32
    %dma_wait3A_83 = arith.constant 0 : i32
    %dma_wait3A_84 = arith.constant 0 : i32
    %dma_wait3A_85 = tpu.memref_slice %arg6[%dma_wait3A_82, %dma_wait3A_83, %dma_wait3A_84] : memref<6x128x128xf32, #tpu.memory_space<vmem>> -> memref<1x128x128xf32, #tpu.memory_space<vmem>>
    %dma_wait3A_86 = tpu.memref_squeeze %dma_wait3A_85 : memref<1x128x128xf32, #tpu.memory_space<vmem>> -> memref<128x128xf32, #tpu.memory_space<vmem>>
    %dma_wait3A_87 = arith.constant 0 : i32
    %dma_wait3A_88 = arith.constant 0 : i32
    %dma_wait3A_89 = tpu.memref_slice %arg6[%dma_wait3A_82, %dma_wait3A_87, %dma_wait3A_88] : memref<6x128x128xf32, #tpu.memory_space<vmem>> -> memref<1x128x128xf32, #tpu.memory_space<vmem>>
    %dma_wait3A_90 = tpu.memref_squeeze %dma_wait3A_89 : memref<1x128x128xf32, #tpu.memory_space<vmem>> -> memref<128x128xf32, #tpu.memory_space<vmem>>
    tpu.wait_dma2 semaphore(%arg9 : memref<!tpu.dma_semaphore, #tpu.memory_space<semaphore_mem>>) src(%arg7 : memref<160x128xf32, #tpu.memory_space<vmem_shared>>) dst(%dma_wait3A_90 : memref<128x128xf32, #tpu.memory_space<vmem>>)
    %mul3A_91 = arith.constant 200 : i32
    %mul3A_92 = arith.muli %add3A, %mul3A_91 : i32
    %add3A_93 = arith.constant 199 : i32
    %add3A_94 = arith.addi %mul3A_92, %add3A_93 : i32
    %mul3A_95 = arith.constant 128 : i32
    %mul3A_96 = arith.muli %add3A_94, %mul3A_95 : i32
    %dma_start3A_97 = arith.constant 1 : i32
    %dma_start3A_98 = arith.constant 0 : i32
    %dma_start3A_99 = arith.constant 0 : i32
    %dma_start3A_100 = tpu.memref_slice %arg6[%dma_start3A_97, %dma_start3A_98, %dma_start3A_99] : memref<6x128x128xf32, #tpu.memory_space<vmem>> -> memref<1x128x128xf32, #tpu.memory_space<vmem>>
    %dma_start3A_101 = tpu.memref_squeeze %dma_start3A_100 : memref<1x128x128xf32, #tpu.memory_space<vmem>> -> memref<128x128xf32, #tpu.memory_space<vmem>>
    %dma_start3A_102 = arith.constant 0 : i32
    %dma_start3A_103 = tpu.memref_slice %arg4[%mul3A_96, %dma_start3A_102] : memref<819200x128xf32, #tpu.memory_space<hbm>> -> memref<128x128xf32, #tpu.memory_space<hbm>>
    %dma_start3A_104 = arith.constant 0 : i32
    %dma_start3A_105 = tpu.memref_slice %arg4[%mul3A_96, %dma_start3A_104] : memref<819200x128xf32, #tpu.memory_space<hbm>> -> memref<128x128xf32, #tpu.memory_space<hbm>>
    %dma_start3A_106 = arith.constant 0 : i32
    %dma_start3A_107 = arith.constant 0 : i32
    %dma_start3A_108 = tpu.memref_slice %arg6[%dma_start3A_97, %dma_start3A_106, %dma_start3A_107] : memref<6x128x128xf32, #tpu.memory_space<vmem>> -> memref<1x128x128xf32, #tpu.memory_space<vmem>>
    %dma_start3A_109 = tpu.memref_squeeze %dma_start3A_108 : memref<1x128x128xf32, #tpu.memory_space<vmem>> -> memref<128x128xf32, #tpu.memory_space<vmem>>
    tpu.enqueue_dma source(%dma_start3A_109 : memref<128x128xf32, #tpu.memory_space<vmem>>) target(%dma_start3A_105 : memref<128x128xf32, #tpu.memory_space<hbm>>) target_semaphore(%arg15 : memref<!tpu.dma_semaphore, #tpu.memory_space<semaphore_mem>>)
    %mul3A_110 = arith.constant 200 : i32
    %mul3A_111 = arith.muli %add3A, %mul3A_110 : i32
    %add3A_112 = arith.constant 194 : i32
    %add3A_113 = arith.addi %mul3A_111, %add3A_112 : i32
    %mul3A_114 = arith.constant 128 : i32
    %mul3A_115 = arith.muli %add3A_113, %mul3A_114 : i32
    %dma_wait3A_116 = arith.constant 2 : i32
    %dma_wait3A_117 = arith.constant 0 : i32
    %dma_wait3A_118 = arith.constant 0 : i32
    %dma_wait3A_119 = tpu.memref_slice %arg6[%dma_wait3A_116, %dma_wait3A_117, %dma_wait3A_118] : memref<6x128x128xf32, #tpu.memory_space<vmem>> -> memref<1x128x128xf32, #tpu.memory_space<vmem>>
    %dma_wait3A_120 = tpu.memref_squeeze %dma_wait3A_119 : memref<1x128x128xf32, #tpu.memory_space<vmem>> -> memref<128x128xf32, #tpu.memory_space<vmem>>
    %dma_wait3A_121 = arith.constant 0 : i32
    %dma_wait3A_122 = tpu.memref_slice %arg4[%mul3A_115, %dma_wait3A_121] : memref<819200x128xf32, #tpu.memory_space<hbm>> -> memref<128x128xf32, #tpu.memory_space<hbm>>
    %dma_wait3A_123 = arith.constant 0 : i32
    %dma_wait3A_124 = tpu.memref_slice %arg4[%mul3A_115, %dma_wait3A_123] : memref<819200x128xf32, #tpu.memory_space<hbm>> -> memref<128x128xf32, #tpu.memory_space<hbm>>
    %dma_wait3A_125 = arith.constant 0 : i32
    %dma_wait3A_126 = arith.constant 0 : i32
    %dma_wait3A_127 = tpu.memref_slice %arg6[%dma_wait3A_116, %dma_wait3A_125, %dma_wait3A_126] : memref<6x128x128xf32, #tpu.memory_space<vmem>> -> memref<1x128x128xf32, #tpu.memory_space<vmem>>
    %dma_wait3A_128 = tpu.memref_squeeze %dma_wait3A_127 : memref<1x128x128xf32, #tpu.memory_space<vmem>> -> memref<128x128xf32, #tpu.memory_space<vmem>>
    tpu.wait_dma2 semaphore(%arg16 : memref<!tpu.dma_semaphore, #tpu.memory_space<semaphore_mem>>) src(%dma_wait3A_128 : memref<128x128xf32, #tpu.memory_space<vmem>>) dst(%dma_wait3A_124 : memref<128x128xf32, #tpu.memory_space<hbm>>)
    %mul3A_129 = arith.constant 200 : i32
    %mul3A_130 = arith.muli %add3A, %mul3A_129 : i32
    %add3A_131 = arith.constant 195 : i32
    %add3A_132 = arith.addi %mul3A_130, %add3A_131 : i32
    %mul3A_133 = arith.constant 128 : i32
    %mul3A_134 = arith.muli %add3A_132, %mul3A_133 : i32
    %dma_wait3A_135 = arith.constant 3 : i32
    %dma_wait3A_136 = arith.constant 0 : i32
    %dma_wait3A_137 = arith.constant 0 : i32
    %dma_wait3A_138 = tpu.memref_slice %arg6[%dma_wait3A_135, %dma_wait3A_136, %dma_wait3A_137] : memref<6x128x128xf32, #tpu.memory_space<vmem>> -> memref<1x128x128xf32, #tpu.memory_space<vmem>>
    %dma_wait3A_139 = tpu.memref_squeeze %dma_wait3A_138 : memref<1x128x128xf32, #tpu.memory_space<vmem>> -> memref<128x128xf32, #tpu.memory_space<vmem>>
    %dma_wait3A_140 = arith.constant 0 : i32
    %dma_wait3A_141 = tpu.memref_slice %arg4[%mul3A_134, %dma_wait3A_140] : memref<819200x128xf32, #tpu.memory_space<hbm>> -> memref<128x128xf32, #tpu.memory_space<hbm>>
    %dma_wait3A_142 = arith.constant 0 : i32
    %dma_wait3A_143 = tpu.memref_slice %arg4[%mul3A_134, %dma_wait3A_142] : memref<819200x128xf32, #tpu.memory_space<hbm>> -> memref<128x128xf32, #tpu.memory_space<hbm>>
    %dma_wait3A_144 = arith.constant 0 : i32
    %dma_wait3A_145 = arith.constant 0 : i32
    %dma_wait3A_146 = tpu.memref_slice %arg6[%dma_wait3A_135, %dma_wait3A_144, %dma_wait3A_145] : memref<6x128x128xf32, #tpu.memory_space<vmem>> -> memref<1x128x128xf32, #tpu.memory_space<vmem>>
    %dma_wait3A_147 = tpu.memref_squeeze %dma_wait3A_146 : memref<1x128x128xf32, #tpu.memory_space<vmem>> -> memref<128x128xf32, #tpu.memory_space<vmem>>
    tpu.wait_dma2 semaphore(%arg17 : memref<!tpu.dma_semaphore, #tpu.memory_space<semaphore_mem>>) src(%dma_wait3A_147 : memref<128x128xf32, #tpu.memory_space<vmem>>) dst(%dma_wait3A_143 : memref<128x128xf32, #tpu.memory_space<hbm>>)
    %mul3A_148 = arith.constant 200 : i32
    %mul3A_149 = arith.muli %add3A, %mul3A_148 : i32
    %add3A_150 = arith.constant 196 : i32
    %add3A_151 = arith.addi %mul3A_149, %add3A_150 : i32
    %mul3A_152 = arith.constant 128 : i32
    %mul3A_153 = arith.muli %add3A_151, %mul3A_152 : i32
    %dma_wait3A_154 = arith.constant 4 : i32
    %dma_wait3A_155 = arith.constant 0 : i32
    %dma_wait3A_156 = arith.constant 0 : i32
    %dma_wait3A_157 = tpu.memref_slice %arg6[%dma_wait3A_154, %dma_wait3A_155, %dma_wait3A_156] : memref<6x128x128xf32, #tpu.memory_space<vmem>> -> memref<1x128x128xf32, #tpu.memory_space<vmem>>
    %dma_wait3A_158 = tpu.memref_squeeze %dma_wait3A_157 : memref<1x128x128xf32, #tpu.memory_space<vmem>> -> memref<128x128xf32, #tpu.memory_space<vmem>>
    %dma_wait3A_159 = arith.constant 0 : i32
    %dma_wait3A_160 = tpu.memref_slice %arg4[%mul3A_153, %dma_wait3A_159] : memref<819200x128xf32, #tpu.memory_space<hbm>> -> memref<128x128xf32, #tpu.memory_space<hbm>>
    %dma_wait3A_161 = arith.constant 0 : i32
    %dma_wait3A_162 = tpu.memref_slice %arg4[%mul3A_153, %dma_wait3A_161] : memref<819200x128xf32, #tpu.memory_space<hbm>> -> memref<128x128xf32, #tpu.memory_space<hbm>>
    %dma_wait3A_163 = arith.constant 0 : i32
    %dma_wait3A_164 = arith.constant 0 : i32
    %dma_wait3A_165 = tpu.memref_slice %arg6[%dma_wait3A_154, %dma_wait3A_163, %dma_wait3A_164] : memref<6x128x128xf32, #tpu.memory_space<vmem>> -> memref<1x128x128xf32, #tpu.memory_space<vmem>>
    %dma_wait3A_166 = tpu.memref_squeeze %dma_wait3A_165 : memref<1x128x128xf32, #tpu.memory_space<vmem>> -> memref<128x128xf32, #tpu.memory_space<vmem>>
    tpu.wait_dma2 semaphore(%arg18 : memref<!tpu.dma_semaphore, #tpu.memory_space<semaphore_mem>>) src(%dma_wait3A_166 : memref<128x128xf32, #tpu.memory_space<vmem>>) dst(%dma_wait3A_162 : memref<128x128xf32, #tpu.memory_space<hbm>>)
    %mul3A_167 = arith.constant 200 : i32
    %mul3A_168 = arith.muli %add3A, %mul3A_167 : i32
    %add3A_169 = arith.constant 197 : i32
    %add3A_170 = arith.addi %mul3A_168, %add3A_169 : i32
    %mul3A_171 = arith.constant 128 : i32
    %mul3A_172 = arith.muli %add3A_170, %mul3A_171 : i32
    %dma_wait3A_173 = arith.constant 5 : i32
    %dma_wait3A_174 = arith.constant 0 : i32
    %dma_wait3A_175 = arith.constant 0 : i32
    %dma_wait3A_176 = tpu.memref_slice %arg6[%dma_wait3A_173, %dma_wait3A_174, %dma_wait3A_175] : memref<6x128x128xf32, #tpu.memory_space<vmem>> -> memref<1x128x128xf32, #tpu.memory_space<vmem>>
    %dma_wait3A_177 = tpu.memref_squeeze %dma_wait3A_176 : memref<1x128x128xf32, #tpu.memory_space<vmem>> -> memref<128x128xf32, #tpu.memory_space<vmem>>
    %dma_wait3A_178 = arith.constant 0 : i32
    %dma_wait3A_179 = tpu.memref_slice %arg4[%mul3A_172, %dma_wait3A_178] : memref<819200x128xf32, #tpu.memory_space<hbm>> -> memref<128x128xf32, #tpu.memory_space<hbm>>
    %dma_wait3A_180 = arith.constant 0 : i32
    %dma_wait3A_181 = tpu.memref_slice %arg4[%mul3A_172, %dma_wait3A_180] : memref<819200x128xf32, #tpu.memory_space<hbm>> -> memref<128x128xf32, #tpu.memory_space<hbm>>
    %dma_wait3A_182 = arith.constant 0 : i32
    %dma_wait3A_183 = arith.constant 0 : i32
    %dma_wait3A_184 = tpu.memref_slice %arg6[%dma_wait3A_173, %dma_wait3A_182, %dma_wait3A_183] : memref<6x128x128xf32, #tpu.memory_space<vmem>> -> memref<1x128x128xf32, #tpu.memory_space<vmem>>
    %dma_wait3A_185 = tpu.memref_squeeze %dma_wait3A_184 : memref<1x128x128xf32, #tpu.memory_space<vmem>> -> memref<128x128xf32, #tpu.memory_space<vmem>>
    tpu.wait_dma2 semaphore(%arg19 : memref<!tpu.dma_semaphore, #tpu.memory_space<semaphore_mem>>) src(%dma_wait3A_185 : memref<128x128xf32, #tpu.memory_space<vmem>>) dst(%dma_wait3A_181 : memref<128x128xf32, #tpu.memory_space<hbm>>)
    %mul3A_186 = arith.constant 200 : i32
    %mul3A_187 = arith.muli %add3A, %mul3A_186 : i32
    %add3A_188 = arith.constant 198 : i32
    %add3A_189 = arith.addi %mul3A_187, %add3A_188 : i32
    %mul3A_190 = arith.constant 128 : i32
    %mul3A_191 = arith.muli %add3A_189, %mul3A_190 : i32
    %dma_wait3A_192 = arith.constant 0 : i32
    %dma_wait3A_193 = arith.constant 0 : i32
    %dma_wait3A_194 = arith.constant 0 : i32
    %dma_wait3A_195 = tpu.memref_slice %arg6[%dma_wait3A_192, %dma_wait3A_193, %dma_wait3A_194] : memref<6x128x128xf32, #tpu.memory_space<vmem>> -> memref<1x128x128xf32, #tpu.memory_space<vmem>>
    %dma_wait3A_196 = tpu.memref_squeeze %dma_wait3A_195 : memref<1x128x128xf32, #tpu.memory_space<vmem>> -> memref<128x128xf32, #tpu.memory_space<vmem>>
    %dma_wait3A_197 = arith.constant 0 : i32
    %dma_wait3A_198 = tpu.memref_slice %arg4[%mul3A_191, %dma_wait3A_197] : memref<819200x128xf32, #tpu.memory_space<hbm>> -> memref<128x128xf32, #tpu.memory_space<hbm>>
    %dma_wait3A_199 = arith.constant 0 : i32
    %dma_wait3A_200 = tpu.memref_slice %arg4[%mul3A_191, %dma_wait3A_199] : memref<819200x128xf32, #tpu.memory_space<hbm>> -> memref<128x128xf32, #tpu.memory_space<hbm>>
    %dma_wait3A_201 = arith.constant 0 : i32
    %dma_wait3A_202 = arith.constant 0 : i32
    %dma_wait3A_203 = tpu.memref_slice %arg6[%dma_wait3A_192, %dma_wait3A_201, %dma_wait3A_202] : memref<6x128x128xf32, #tpu.memory_space<vmem>> -> memref<1x128x128xf32, #tpu.memory_space<vmem>>
    %dma_wait3A_204 = tpu.memref_squeeze %dma_wait3A_203 : memref<1x128x128xf32, #tpu.memory_space<vmem>> -> memref<128x128xf32, #tpu.memory_space<vmem>>
    tpu.wait_dma2 semaphore(%arg14 : memref<!tpu.dma_semaphore, #tpu.memory_space<semaphore_mem>>) src(%dma_wait3A_204 : memref<128x128xf32, #tpu.memory_space<vmem>>) dst(%dma_wait3A_200 : memref<128x128xf32, #tpu.memory_space<hbm>>)
    %mul3A_205 = arith.constant 200 : i32
    %mul3A_206 = arith.muli %add3A, %mul3A_205 : i32
    %add3A_207 = arith.constant 199 : i32
    %add3A_208 = arith.addi %mul3A_206, %add3A_207 : i32
    %mul3A_209 = arith.constant 128 : i32
    %mul3A_210 = arith.muli %add3A_208, %mul3A_209 : i32
    %dma_wait3A_211 = arith.constant 1 : i32
    %dma_wait3A_212 = arith.constant 0 : i32
    %dma_wait3A_213 = arith.constant 0 : i32
    %dma_wait3A_214 = tpu.memref_slice %arg6[%dma_wait3A_211, %dma_wait3A_212, %dma_wait3A_213] : memref<6x128x128xf32, #tpu.memory_space<vmem>> -> memref<1x128x128xf32, #tpu.memory_space<vmem>>
    %dma_wait3A_215 = tpu.memref_squeeze %dma_wait3A_214 : memref<1x128x128xf32, #tpu.memory_space<vmem>> -> memref<128x128xf32, #tpu.memory_space<vmem>>
    %dma_wait3A_216 = arith.constant 0 : i32
    %dma_wait3A_217 = tpu.memref_slice %arg4[%mul3A_210, %dma_wait3A_216] : memref<819200x128xf32, #tpu.memory_space<hbm>> -> memref<128x128xf32, #tpu.memory_space<hbm>>
    %dma_wait3A_218 = arith.constant 0 : i32
    %dma_wait3A_219 = tpu.memref_slice %arg4[%mul3A_210, %dma_wait3A_218] : memref<819200x128xf32, #tpu.memory_space<hbm>> -> memref<128x128xf32, #tpu.memory_space<hbm>>
    %dma_wait3A_220 = arith.constant 0 : i32
    %dma_wait3A_221 = arith.constant 0 : i32
    %dma_wait3A_222 = tpu.memref_slice %arg6[%dma_wait3A_211, %dma_wait3A_220, %dma_wait3A_221] : memref<6x128x128xf32, #tpu.memory_space<vmem>> -> memref<1x128x128xf32, #tpu.memory_space<vmem>>
    %dma_wait3A_223 = tpu.memref_squeeze %dma_wait3A_222 : memref<1x128x128xf32, #tpu.memory_space<vmem>> -> memref<128x128xf32, #tpu.memory_space<vmem>>
    tpu.wait_dma2 semaphore(%arg15 : memref<!tpu.dma_semaphore, #tpu.memory_space<semaphore_mem>>) src(%dma_wait3A_223 : memref<128x128xf32, #tpu.memory_space<vmem>>) dst(%dma_wait3A_219 : memref<128x128xf32, #tpu.memory_space<hbm>>)
    return
  }
}

</mosaic_0001>

<sc_bundles>
// kernel: _emb_lookup.3.cloned.1.call-start
scs
__scs_entry_jumppad:
0x0: {  	(pc) =	sbr.rel $0x88, $3  }
0x1: {  	(tag) =	ssettag $0x0;
	lr =	simm.s32 $0x1  }
0x2: {  	[smem:$0x3F9F] =	sst lr;
	_ =	strace $0xD0000000  }
0x3: {  	_ = 	snop  }
0x4: {  	_ = 	snop  }
0x5: {  	_ = 	snop  }
0x6: {  	_ = 	snop  }
0x7: {  	_ = 	snop  }
__scs_overlays_trampoline_lowered:
0x8: {  	[smem:$0x3FAE] =	sst s0  }
0x9: {  	[smem:$0x3FAF] =	sst s1  }
0xa: {  	[smem:$0x3FB0] =	sst s2  }
0xb: {  	[smem:$0x3FB1] =	sst s3  }
0xc: {  	[smem:$0x3FB2] =	sst s4  }
0xd: {  	[smem:$0x3FB3] =	sst s5  }
0xe: {  	[smem:$0x3FB4] =	sst s6  }
0xf: {  	[smem:$0x3FB5] =	sst s7  }
0x10: {  	[smem:$0x3FB6] =	sst s8  }
0x11: {  	[smem:$0x3FB7] =	sst s9;
	s0 =	simm.s32 @!p0 $0x0  }
0x12: {  	s1 =	sld [smem:$0x3F9D];
	s0 =	simm.s32 @p0 $0x1  }
0x13: {  	[smem:$0x3FB8] =	sst s0;
	s0 =	simm.s32 @!p1 $0x0  }
0x14: {  	s2 =	sld [smem:$0x3F9C];
	s0 =	simm.s32 @p1 $0x1  }
0x15: {  	[smem:$0x3FB9] =	sst s0;
	s0 =	simm.s32 @!p2 $0x0  }
0x16: {  	s3 =	sld [smem:$0x3FDB];
	s0 =	simm.s32 @p2 $0x1  }
0x17: {  	s4 =	simm.s32 $0x1BF5;
	[smem:$0x3FBB] =	sst s0  }
0x18: {  	s0 =	sld [smem:$0x3F9E];
	_ =	swait.ge [sflag:s4], $0x0  }
0x19: {  	s7 =	sld [smem:$0x3F9F]  }
0x1a: {  	s8 =	sadd.s32 $0xFFFFE003, lr  }
0x1b: {  	s9 =	sadd.s32 $0xFFFFFEF7, lr;
	s5 =	simm.s32 $0xFFFFFFFF;
	p2 =	slt.u32 s8, $0xFFFFF086  }
0x1c: {  	p1 =	slt.u32 s9, $0xF7A;
	s5 =	simm.s32 @!p2 $0x0  }
0x1d: {  	s5 =	simm.s32 @p1 $0x1;
	p0 =	seq.s32 s7, s2  }
0x1e: {  	s7 =	smul.u32 @!p0 $0xF7A, s2;
	p2 =	seq.s32 @!p0 s5, $0x0  }
0x1f: {  	s9 =	smul.u32 $0xF7A, s1;
	s8 =	simm.s32 @!p0 $0x1BF5;
	p2 =	por !p2, p0  }
0x20: {  	[sflag:s8] =	ssyncset.s32 @!p0 $0xFFFFF086;
	s6 =	sadd.s32 @!p0 s3, s7;
	s7 =	simm.s32 @!p0 $0x108  }
0x21: {  	s3 =	sadd.s32 s3, s9;
	s6 =	sadd.s32 @!p0 $0x88, s6;
	s7 =	simm.s32 @p2 $0x1082  }
0x22: {  	[simem:s7], [sflag:s8] =	dma.local @!p0 [hbm:s6], $0xF7A  }
0x23: {  	s9 =	sor.u32 $0xD0000000, s2;
	s6 =	simm.s32 $0x108;
	_ =	swait.ge @!p0 [sflag:s8], $0x0  }
0x24: {  	s3 =	sadd.s32 $0x88, s3;
	s6 =	simm.s32 @!p1 $0x1082;
	[sflag:s4] =	ssyncset.s32 $0xFFFFF086  }
0x25: {  	[simem:s6], [sflag:s4] =	dma.local [hbm:s3], $0xF7A  }
0x26: {  	[smem:$0x3F9F] =	sst s1;
	(tag) =	ssettag s2;
	_ =	strace s9  }
0x27: {  	s1 =	sld [smem:$0x3FAF]  }
0x28: {  	s2 =	sld [smem:$0x3FB0]  }
0x29: {  	s4 =	sld [smem:$0x3FB2]  }
0x2a: {  	p0 =	seq.s32 s5, $0x0;
	s5 =	sld [smem:$0x3FB3]  }
0x2b: {  	s6 =	sld [smem:$0x3FB4]  }
0x2c: {  	s7 =	sld [smem:$0x3FB5]  }
0x2d: {  	s3 =	simm.s32 $0x108;
	s8 =	sld [smem:$0x3FB6]  }
0x2e: {  	s3 =	simm.s32 @!p0 $0x1082;
	s9 =	sld [smem:$0x3FB7]  }
0x2f: {  	lr =	sadd.s32 s0, s3;
	s0 =	sld [smem:$0x3FAE]  }
0x30: {  	s3 =	sld [smem:$0x3FB1]  }
0x31: {  	[smem:$0x3FBA] =	sst s10  }
0x32: {  	s10 =	sld [smem:$0x3FB8];
	_ =	sdelay $0x3  }
0x33: {  	p0 =	seq.s32 s10, $0x1;
	s10 =	sld [smem:$0x3FBA];
	_ =	sdelay $0x3  }
0x34: {  	[smem:$0x3FBA] =	sst s10  }
0x35: {  	s10 =	sld [smem:$0x3FB9];
	_ =	sdelay $0x3  }
0x36: {  	p1 =	seq.s32 s10, $0x1;
	s10 =	sld [smem:$0x3FBA];
	_ =	sdelay $0x3  }
0x37: {  	[smem:$0x3FBA] =	sst s10  }
0x38: {  	s10 =	sld [smem:$0x3FBB]  }
0x39: {  	_ = 	snop;
	(pc) =	sbr.ind lr, $3  }
0x3a: {  	_ = 	snop  }
0x3b: {  	_ = 	snop  }
0x3c: {  	p2 =	seq.s32 s10, $0x1;
	s10 =	sld [smem:$0x3FBA]  }
0x3d: {  	_ =	shalt  }
0x3e: {  	_ =	shalt  }
0x3f: {  	_ =	shalt  }
0x40: {  	_ =	shalt  }
0x41: {  	_ =	shalt  }
0x42: {  	_ =	shalt  }
0x43: {  	_ =	shalt  }
0x44: {  	_ =	shalt  }
0x45: {  	_ =	shalt  }
0x46: {  	_ =	shalt  }
0x47: {  	_ =	shalt  }
0x48: {  	_ =	shalt  }
0x49: {  	_ =	shalt  }
0x4a: {  	_ =	shalt  }
0x4b: {  	_ =	shalt  }
0x4c: {  	_ =	shalt  }
0x4d: {  	_ =	shalt  }
0x4e: {  	_ =	shalt  }
0x4f: {  	_ =	shalt  }
0x50: {  	_ =	shalt  }
0x51: {  	_ =	shalt  }
0x52: {  	_ =	shalt  }
0x53: {  	_ =	shalt  }
0x54: {  	_ =	shalt  }
0x55: {  	_ =	shalt  }
0x56: {  	_ =	shalt  }
0x57: {  	_ =	shalt  }
0x58: {  	_ =	shalt  }
0x59: {  	_ =	shalt  }
0x5a: {  	_ =	shalt  }
0x5b: {  	_ =	shalt  }
0x5c: {  	_ =	shalt  }
0x5d: {  	_ =	shalt  }
0x5e: {  	_ =	shalt  }
0x5f: {  	_ =	shalt  }
0x60: {  	_ =	shalt  }
0x61: {  	_ =	shalt  }
0x62: {  	_ =	shalt  }
0x63: {  	_ =	shalt  }
0x64: {  	_ =	shalt  }
0x65: {  	_ =	shalt  }
0x66: {  	_ =	shalt  }
0x67: {  	_ =	shalt  }
0x68: {  	_ =	shalt  }
0x69: {  	_ =	shalt  }
0x6a: {  	_ =	shalt  }
0x6b: {  	_ =	shalt  }
0x6c: {  	_ =	shalt  }
0x6d: {  	_ =	shalt  }
0x6e: {  	_ =	shalt  }
0x6f: {  	_ =	shalt  }
0x70: {  	_ =	shalt  }
0x71: {  	_ =	shalt  }
0x72: {  	_ =	shalt  }
0x73: {  	_ =	shalt  }
0x74: {  	_ =	shalt  }
0x75: {  	_ =	shalt  }
0x76: {  	_ =	shalt  }
0x77: {  	_ =	shalt  }
0x78: {  	_ =	shalt  }
0x79: {  	_ =	shalt  }
0x7a: {  	_ =	shalt  }
0x7b: {  	_ =	shalt  }
0x7c: {  	_ =	shalt  }
0x7d: {  	_ =	shalt  }
0x7e: {  	_ =	shalt  }
0x7f: {  	_ =	shalt  }
0x80: {  	_ =	shalt  }
0x81: {  	_ =	shalt  }
0x82: {  	_ =	shalt  }
0x83: {  	_ =	shalt  }
0x84: {  	_ =	shalt  }
0x85: {  	_ =	shalt  }
0x86: {  	_ =	shalt  }
0x87: {  	_ =	shalt  }
.Lfunc_end0:
.L_simem_size_0:
called_computation_lowered:
.L_overlay_start_0:
0x88: {  	s2 =	sld [smem:$0x3FD9]  }
0x89: {  	s3 =	sld [smem:$0x3FFE];
	_ =	sdelay $0x1  }
0x8a: {  	s1 =	srdreg.scid  }
0x8b: {  	s0 =	sand.u32 $0x1, s1  }
0x8c: {  	s18 =	sshll.u32 s0, $0xA;
	s2 =	sadd.s32 s3, s2  }
0x8d: {  	s2 =	sadd.s32 s2, s18  }
0x8e: {  	[smem:$0x3FC6] =	sst s2  }
0x8f: {  	_ = 	snop  }
0x90: {  	s2 =	sld [smem:$0x3FC9]  }
0x91: {  	s19 =	sld [smem:$0x3FC8]  }
0x92: {  	s4 =	sld [smem:$0x3FD0];
	(tm) =	ssettm $0x1  }
0x93: {  	s5 =	sld [smem:$0x3FFB];
	_ =	sdelay $0x3  }
0x94: {  	_ =	strace s5  }
0x95: {  	s5 =	sld [smem:$0x3FFC];
	_ =	sdelay $0x3  }
0x96: {  	_ =	strace s5  }
0x97: {  	s5 =	sld [smem:$0x3FFD];
	_ =	sdelay $0x3  }
0x98: {  	_ =	strace s5  }
0x99: {  	_ =	strace $0x8FFFFFFF  }
0x9a: {  	s20 =	sld [smem:$0x3FDB];
	_ =	sdelay $0x1  }
0x9b: {  	s6 =	simm.s32 $_scs_section_size  }
0x9c: {  	s7 =	simm.s32 $_size__tile_overlayer_lowered;
	s8 =	simm.s32 $_tile_overlayer_lowered  }
0x9d: {  	s23 =	simm.s32 $0x1BFF;
	s22 =	sshll.u32 s8, $0x1;
	s5 =	sadd.s32 s6, s20  }
0x9e: {  	s9 =	simm.s32 $0x0;
	s21 =	sshll.u32 s7, $0x1;
	s7 =	sadd.s32 s22, s5  }
0x9f: {  	[timem:s9], [sflag:s23] =	dma.local [hbm:s7], s21  }
0xa0: {  	_ =	swait.ge [sflag:s23], s21  }
0xa1: {  	s6 =	ssub.s32 $0x0, s21;
	[sflag:s23] =	ssyncset.done $0x0  }
0xa2: {  	[sflag:s23] =	ssyncadd.s32 s6;
	_ =	sdelay $0x1  }
0xa3: {  	s24 =	simm.s32 $0x1B8B  }
0xa4: {  	_ =	swait.ge [sflag:s24], $0x1  }
0xa5: {  	[sflag:s24] =	ssyncset.done $0x0  }
0xa6: {  	s25 =	simm.s32 $0x1B8E;
	[sflag:s24] =	ssyncadd.s32 $0xFFFFFFFF  }
0xa7: {  	s26 =	simm.s32 $execute0_lowered;
	[smem:$0x3FD2] =	sst s25  }
0xa8: {  	s6 =	sshll.u32 s26, $0x1;
	_ =	strace $0x80000046;
	[dreg:$0x1] =	wrdreg $0xFFFFFFFF  }
0xa9: {  	s28 =	simm.s32 $_size_execute0_lowered;
	s5 =	sadd.s32 s5, s6;
	[dreg:$0x0] =	wrdreg $0x0  }
0xaa: {  	s6 =	sshll.u32 s28, $0x1;
	[dreg:$0x2] =	wrdreg s5  }
0xab: {  	[dreg:$0x3] =	wrdreg s6  }
0xac: {  	[dreg:$0x4] =	wrdreg $0xC0  }
0xad: {  	_ =	task [dreg:s9], $0x5FFFF  }
0xae: {  	[dreg:$0x1] =	wrdreg $0xFFFFFFFF  }
0xaf: {  	[dreg:$0x0] =	wrdreg $0x60  }
0xb0: {  	[dreg:$0x2] =	wrdreg s2  }
0xb1: {  	[dreg:$0x3] =	wrdreg s19  }
0xb2: {  	[dreg:$0x4] =	wrdreg s4  }
0xb3: {  	[dreg:$0x5] =	wrdreg $0x1E4000  }
0xb4: {  	[dreg:$0x6] =	wrdreg $0x9  }
0xb5: {  	_ =	task.clear_ibuf [dreg:s9], $0x7FFFF;
	_ =	strace $0x90000046  }
0xb6: {  	s29 =	simm.s32 $0x9;
	_ =	strace $0x80000048  }
0xb7: {  	_ =	swait.ge [sflag:s29], $0x1  }
0xb8: {  	[sflag:s29] =	ssyncadd.s32 $0xFFFFFFFF  }
0xb9: {  	_ =	strace $0x90000048  }
0xba: {  	_ =	sfence  }
0xbb: {  	s30 =	sld [smem:$0x0];
	_ =	sdelay $0x2  }
0xbc: {  	s31 =	sshll.u32 s1, $0xD;
	s1 =	sshrl.u32 s1, $0x2  }
0xbd: {  	s3 =	sand.u32 $0x4000, s31;
	s1 =	sadd.s32 s1, s30  }
0xbe: {  	s0 =	sor.u32 s3, s0;
	s1 =	sshll.u32 s1, $0x11  }
0xbf: {  	s0 =	sor.u32 s1, s0  }
0xc0: {  	s0 =	sadd.s32 $0x8F2B, s0  }
0xc1: {  	[sflag:s0] =	ssyncadd.remote.s32 $0x1  }
0xc2: {  	_ =	sfence.sel $0xFFFF  }
0xc3: {  	[dreg:$0x0] =	wrdreg $0xFFFFFFFF;
	(pc) =	sbr.abs _section_cstart, $3  }
0xc4: {  	[dreg:$0x1] =	wrdreg $0xFFFFFFFF  }
0xc5: {  	_ =	task.clear_ibuf [dreg:s9], $0x2FFFF;
	_ =	strace $0x9FFFFFFF  }
0xc6: {  	(tm) =	ssettm $0x7FFFFFFF  }
0xc7: {  	_ =	shalt  }
tec
execute0_lowered:
.L_overlay_start_1:
0x0: {  	(tag) =	ssettag $0x1  }
0x1: {  	s0 =	rddreg [dreg:$0x0]  }
0x2: {  	s1 =	rddreg [dreg:$0x2]  }
0x3: {  	s2 =	rddreg [dreg:$0x3]  }
0x4: {  	s3 =	simm.s32 $0x0;
	s4 =	srdreg.scid;
	s6 =	stileid.u32  }
0x5: {  	s12 =	simm.s32 $0x6400;
	s13 =	simm.s32 $0xA400;
	s15 =	simm.s32 $0xE400  }
0x6: {  	s28 =	simm.s32 $0x6;
	s29 =	simm.s32 $0x9;
	s7 =	smul.u32 $0x190, s6  }
0x7: {  	s30 =	simm.s32 $0xA;
	s4 =	sand.u32 $0x1, s4;
	s18 =	smul.u32 $0xC8000, s6  }
0x8: {  	s31 =	simm.s32 $0xB;
	s5 =	sshll.u32 s6, $0x1;
	s9 =	smul.u32 $0xC8, s4  }
0x9: {  	[smem:$0x7FF] =	sst s3;
	s5 =	sor.u32 s4, s5;
	s20 =	smul.u32 $0x64000, s4  }
0xa: {  	p0 =	sne.s32 s6, $0x0;
	s8 =	ssub.s32 $0x2, s4;
	s11 =	smul.u32 $0xC80, s5  }
0xb: {  	_ =	strace $0x80000047;
	s10 =	sshrl.u32 s8, $0x1;
	s5 =	smul.u32 $0x320000, s5  }
0xc: {  	s8 =	ssub.s32 s8, s10;
	s7 =	sadd.s32 s9, s7;
	s0 =	sadd.s32 s0, s11  }
0xd: {  	s17 =	sshll.u32 s7, $0xB;
	s19 =	sshrl.u32 s5, $0x3;
	s26 =	smax.u32 s8, $0x1  }
0xe: {  	s11 =	simm.s32 $0x80;
	[dreg:$0x8] =	wrdreg s0;
	s5 =	sadd.s32 s17, s1  }
0xf: {  	s21 =	sadd.s32 s1, s19;
	s1 =	sadd.s32 s18, s1;
	[dreg:$0xb] =	wrdreg s26  }
0x10: {  	s17 =	simm.s32 $0x12400;
	s18 =	simm.s32 $0x1;
	s23 =	sadd.s32 $0x63000, s21  }
0x11: {  	s19 =	simm.s32 $0x16400;
	s22 =	sadd.s32 $0x1000, s5;
	[dreg:$0x9] =	wrdreg s23  }
0x12: {  	s26 =	simm.s32 $0x5;
	s24 =	sadd.s32 $0x63800, s21;
	[dreg:$0x5] =	wrdreg s22  }
0x13: {  	s0 =	sadd.s32 s20, s1;
	s25 =	sadd.s32 $0x2000, s5;
	[dreg:$0xa] =	wrdreg s24  }
0x14: {  	s20 =	simm.s32 $0x2;
	s21 =	simm.s32 $0x1A400;
	[dreg:$0x6] =	wrdreg s0  }
0x15: {  	s1 =	simm.s32 $0x0;
	[dreg:$0x7] =	wrdreg s25;
	s0 =	sshrl.u32 @!p0 s2, $0x3  }
0x16: {  	s22 =	simm.s32 $0x3;
	s23 =	simm.s32 $0x7;
	s24 =	simm.s32 $0x4  }
0x17: {  	s25 =	simm.s32 $0x8;
	[dreg:$0xc] =	wrdreg s0;
	s0 =	simm.s32 $0xC  }
.LBB2_1:
0x18: {  	s6 =	rddreg [dreg:$0x1]  }
0x19: {  	s4 =	simm.s32 @!p0 $0x1C0D;
	s7 =	rddreg [dreg:$0xc]  }
0x1a: {  	[spmem:s7], [sflag:s4] =	dma.local @!p0 [hbm:s6], $0xA00  }
0x1b: {  	s4 =	simm.s32 @!p0 $0xD  }
0x1c: {  	_ =	swait.ge @!p0 [sflag:s4], $0xA00  }
0x1d: {  	[sflag:s4] =	ssyncset.done @!p0 $0x0  }
0x1e: {  	s8 =	simm.s32 $0xD;
	s7 =	rddreg [dreg:$0x8];
	[sflag:s4] =	ssyncadd.s32 @!p0 $0xFFFFF600  }
0x1f: {  	[tilespmem:s3], [sflag:$0xD] =	stream.linear.gather [hbm4b:s7+s3], $0x6400, $0x38;
	[tilespmem:$0x1E900] =	vst v63  }
0x20: {  	_ =	swait.ge [sflag:s8], $0x6400  }
0x21: {  	[sflag:s8] =	ssyncset.done $0x0  }
0x22: {  	[sflag:s8] =	ssyncadd.s32 $0xFFFF9C00  }
0x23: {  	[bflag:$0x0] =	sbarrier.arrive $0xFFFF  }
0x24: {  	[tilespmem:s12], [sflag:$0x1] =	stream.indirect.gather [spmem:s2], $0x80, s3, s11, $0xb8;
	[tilespmem:$0x1E900] =	vst v63  }
0x25: {  	_ = 	snop  }
0x26: {  	[tilespmem:s13], [sflag:$0x2] =	stream.indirect.gather [spmem:s2], $0x80, s11, s11, $0xb8;
	[tilespmem:$0x1E900] =	vst v63  }
0x27: {  	s9 =	simm.s32 $0x100  }
0x28: {  	[tilespmem:s15], [sflag:$0x3] =	stream.indirect.gather [spmem:s2], $0x80, s9, s11, $0xb8;
	[tilespmem:$0x1E900] =	vst v63  }
0x29: {  	s10 =	simm.s32 $0x180  }
0x2a: {  	[tilespmem:s17], [sflag:$0x4] =	stream.indirect.gather [spmem:s2], $0x80, s10, s11, $0xb8;
	[tilespmem:$0x1E900] =	vst v63  }
0x2b: {  	_ =	swait.ge [sflag:s18], $0x4000  }
0x2c: {  	p1 =	por $0x1, $0x1;
	[sflag:s18] =	ssyncset.done $0x0  }
0x2d: {  	s4 =	simm.s32 @!p1 $0xB;
	[sflag:s18] =	ssyncadd.s32 $0xFFFFC000  }
0x2e: {  	_ =	swait.ge @!p1 [sflag:s4], $0x4000  }
0x2f: {  	[sflag:s4] =	ssyncset.done @!p1 $0x0  }
0x30: {  	s16 =	simm.s32 $0x200;
	s14 =	rddreg [dreg:$0x6];
	[sflag:s4] =	ssyncadd.s32 @!p1 $0xFFFFC000  }
0x31: {  	[tilespmem:s19], [sflag:$0x5] =	stream.indirect.gather [spmem:s2], $0x80, s16, s11, $0xb8;
	[tilespmem:$0x1E900] =	vst v63  }
0x32: {  	s6 =	sadd.s32 $0x0, s14  }
0x33: {  	[hbm4b:s6+s3] =	stream.linear.scatter [tilespmem:s12], [sflag:$0x7], $0x4000, $0x38;
	[tilespmem:$0x1E900] =	vst v63  }
0x34: {  	_ =	swait.ge [sflag:s20], $0x4000  }
0x35: {  	[sflag:s20] =	ssyncset.done $0x0  }
0x36: {  	s4 =	simm.s32 @!p1 $0xC;
	[sflag:s20] =	ssyncadd.s32 $0xFFFFC000  }
0x37: {  	_ =	swait.ge @!p1 [sflag:s4], $0x4000  }
0x38: {  	[sflag:s4] =	ssyncset.done @!p1 $0x0  }
0x39: {  	s7 =	simm.s32 $0x280;
	[sflag:s4] =	ssyncadd.s32 @!p1 $0xFFFFC000;
	s4 =	sadd.s32 $0x0, s5  }
0x3a: {  	[tilespmem:s21], [sflag:$0x6] =	stream.indirect.gather [spmem:s2], $0x80, s7, s11, $0xb8;
	[tilespmem:$0x1E900] =	vst v63  }
0x3b: {  	s8 =	sadd.s32 $0x800, s4  }
0x3c: {  	[hbm4b:s8+s3] =	stream.linear.scatter [tilespmem:s13], [sflag:$0x8], $0x4000, $0x38;
	[tilespmem:$0x1E900] =	vst v63  }
0x3d: {  	_ =	swait.ge [sflag:s22], $0x4000  }
0x3e: {  	[sflag:s22] =	ssyncset.done $0x0  }
0x3f: {  	[sflag:s22] =	ssyncadd.s32 $0xFFFFC000  }
0x40: {  	_ =	swait.ge [sflag:s23], $0x4000  }
0x41: {  	[sflag:s23] =	ssyncset.done $0x0  }
0x42: {  	s14 =	simm.s32 $0x300;
	s9 =	rddreg [dreg:$0x5];
	[sflag:s23] =	ssyncadd.s32 $0xFFFFC000  }
0x43: {  	[tilespmem:s12], [sflag:$0x1] =	stream.indirect.gather [spmem:s2], $0x80, s14, s11, $0xb8;
	[tilespmem:$0x1E900] =	vst v63  }
0x44: {  	s6 =	sadd.s32 $0x0, s9  }
0x45: {  	[hbm4b:s6+s3] =	stream.linear.scatter [tilespmem:s15], [sflag:$0x9], $0x4000, $0x38;
	[tilespmem:$0x1E900] =	vst v63  }
0x46: {  	_ =	swait.ge [sflag:s24], $0x4000  }
0x47: {  	[sflag:s24] =	ssyncset.done $0x0  }
0x48: {  	[sflag:s24] =	ssyncadd.s32 $0xFFFFC000  }
0x49: {  	_ =	swait.ge [sflag:s25], $0x4000  }
0x4a: {  	[sflag:s25] =	ssyncset.done $0x0  }
0x4b: {  	s10 =	simm.s32 $0x380;
	[sflag:s25] =	ssyncadd.s32 $0xFFFFC000  }
0x4c: {  	[tilespmem:s13], [sflag:$0x2] =	stream.indirect.gather [spmem:s2], $0x80, s10, s11, $0xb8;
	[tilespmem:$0x1E900] =	vst v63  }
0x4d: {  	s14 =	sadd.s32 $0x1800, s4  }
0x4e: {  	[hbm4b:s14+s3] =	stream.linear.scatter [tilespmem:s17], [sflag:$0xA], $0x4000, $0x38;
	[tilespmem:$0x1E900] =	vst v63  }
0x4f: {  	_ =	swait.ge [sflag:s26], $0x4000  }
0x50: {  	p1 =	por $0x0, $0x0;
	[sflag:s26] =	ssyncset.done $0x0  }
0x51: {  	s6 =	simm.s32 @!p1 $0x9;
	[sflag:s26] =	ssyncadd.s32 $0xFFFFC000  }
0x52: {  	_ =	swait.ge @!p1 [sflag:s6], $0x4000  }
0x53: {  	s7 =	simm.s32 @!p1 $0x80;
	s14 =	simm.s32 @!p1 $0xE400;
	[sflag:s6] =	ssyncset.done @!p1 $0x0  }
0x54: {  	s16 =	rddreg [dreg:$0x7];
	[sflag:s6] =	ssyncadd.s32 @!p1 $0xFFFFC000;
	s6 =	simm.s32 @!p1 $0x400  }
0x55: {  	[tilespmem:s14], [sflag:$0x3] =	stream.indirect.gather @!p1 [spmem:s2], $0x80, s6, s7, $0xb8;
	[tilespmem:$0x1E900] =	vst v63  }
0x56: {  	s16 =	sadd.s32 $0x0, s16  }
0x57: {  	[hbm4b:s16+s3] =	stream.linear.scatter [tilespmem:s19], [sflag:$0xB], $0x4000, $0x38;
	[tilespmem:$0x1E900] =	vst v63  }
0x58: {  	_ =	swait.ge [sflag:s28], $0x4000  }
0x59: {  	[sflag:s28] =	ssyncset.done $0x0  }
0x5a: {  	s6 =	simm.s32 @!p1 $0xA;
	[sflag:s28] =	ssyncadd.s32 $0xFFFFC000  }
0x5b: {  	_ =	swait.ge @!p1 [sflag:s6], $0x4000  }
0x5c: {  	[sflag:s6] =	ssyncset.done @!p1 $0x0  }
0x5d: {  	s14 =	simm.s32 @!p1 $0x12400;
	[sflag:s6] =	ssyncadd.s32 @!p1 $0xFFFFC000;
	s6 =	simm.s32 @!p1 $0x480  }
0x5e: {  	[tilespmem:s14], [sflag:$0x4] =	stream.indirect.gather @!p1 [spmem:s2], $0x80, s6, s7, $0xb8;
	[tilespmem:$0x1E900] =	vst v63  }
0x5f: {  	s4 =	sadd.s32 $0x2800, s4;
	s16 =	simm.s32 $0x580;
	s14 =	simm.s32 $0x3000  }
.LBB2_2:
0x60: {  	[hbm4b:s4+s3] =	stream.linear.scatter [tilespmem:s21], [sflag:$0xC], $0x4000, $0x38;
	[tilespmem:$0x1E900] =	vst v63  }
0x61: {  	s4 =	smov.u32 s14;
	_ =	swait.ge [sflag:s18], $0x4000  }
0x62: {  	p2 =	seq.s32 s4, $0x0;
	[sflag:s18] =	ssyncset.done $0x0  }
0x63: {  	s6 =	simm.s32 @!p2 $0xB;
	[sflag:s18] =	ssyncadd.s32 $0xFFFFC000  }
0x64: {  	_ =	swait.ge @!p2 [sflag:s6], $0x4000  }
0x65: {  	[sflag:s6] =	ssyncset.done @!p2 $0x0  }
0x66: {  	s10 =	sadd.s32 $0xFFFFFF80, s16;
	s7 =	rddreg [dreg:$0x6];
	[sflag:s6] =	ssyncadd.s32 @!p2 $0xFFFFC000  }
0x67: {  	[tilespmem:s19], [sflag:$0x5] =	stream.indirect.gather [spmem:s2], $0x80, s10, s11, $0xb8;
	[tilespmem:$0x1E900] =	vst v63  }
0x68: {  	s8 =	sadd.s32 s4, s7  }
0x69: {  	[hbm4b:s8+s3] =	stream.linear.scatter [tilespmem:s12], [sflag:$0x7], $0x4000, $0x38;
	[tilespmem:$0x1E900] =	vst v63  }
0x6a: {  	_ =	swait.ge [sflag:s20], $0x4000  }
0x6b: {  	[sflag:s20] =	ssyncset.done $0x0  }
0x6c: {  	s6 =	simm.s32 @!p2 $0xC;
	[sflag:s20] =	ssyncadd.s32 $0xFFFFC000  }
0x6d: {  	_ =	swait.ge @!p2 [sflag:s6], $0x4000  }
0x6e: {  	[sflag:s6] =	ssyncset.done @!p2 $0x0  }
0x6f: {  	[sflag:s6] =	ssyncadd.s32 @!p2 $0xFFFFC000;
	s6 =	sadd.s32 s4, s5  }
0x70: {  	[tilespmem:s21], [sflag:$0x6] =	stream.indirect.gather [spmem:s2], $0x80, s16, s11, $0xb8;
	[tilespmem:$0x1E900] =	vst v63  }
0x71: {  	s9 =	sadd.s32 $0x800, s6  }
0x72: {  	[hbm4b:s9+s3] =	stream.linear.scatter [tilespmem:s13], [sflag:$0x8], $0x4000, $0x38;
	[tilespmem:$0x1E900] =	vst v63  }
0x73: {  	_ =	swait.ge [sflag:s22], $0x4000  }
0x74: {  	[sflag:s22] =	ssyncset.done $0x0  }
0x75: {  	[sflag:s22] =	ssyncadd.s32 $0xFFFFC000  }
0x76: {  	_ =	swait.ge [sflag:s23], $0x4000  }
0x77: {  	[sflag:s23] =	ssyncset.done $0x0  }
0x78: {  	s8 =	sadd.s32 $0x80, s16;
	s10 =	rddreg [dreg:$0x5];
	[sflag:s23] =	ssyncadd.s32 $0xFFFFC000  }
0x79: {  	[tilespmem:s12], [sflag:$0x1] =	stream.indirect.gather [spmem:s2], $0x80, s8, s11, $0xb8;
	[tilespmem:$0x1E900] =	vst v63  }
0x7a: {  	s7 =	sadd.s32 s4, s10  }
0x7b: {  	[hbm4b:s7+s3] =	stream.linear.scatter [tilespmem:s15], [sflag:$0x9], $0x4000, $0x38;
	[tilespmem:$0x1E900] =	vst v63  }
0x7c: {  	_ =	swait.ge [sflag:s24], $0x4000  }
0x7d: {  	[sflag:s24] =	ssyncset.done $0x0  }
0x7e: {  	[sflag:s24] =	ssyncadd.s32 $0xFFFFC000  }
0x7f: {  	_ =	swait.ge [sflag:s25], $0x4000  }
0x80: {  	[sflag:s25] =	ssyncset.done $0x0  }
0x81: {  	s9 =	sadd.s32 $0x100, s16;
	[sflag:s25] =	ssyncadd.s32 $0xFFFFC000  }
0x82: {  	[tilespmem:s13], [sflag:$0x2] =	stream.indirect.gather [spmem:s2], $0x80, s9, s11, $0xb8;
	[tilespmem:$0x1E900] =	vst v63  }
0x83: {  	s10 =	sadd.s32 $0x1800, s6  }
0x84: {  	[hbm4b:s10+s3] =	stream.linear.scatter [tilespmem:s17], [sflag:$0xA], $0x4000, $0x38;
	[tilespmem:$0x1E900] =	vst v63  }
0x85: {  	_ =	swait.ge [sflag:s26], $0x4000  }
0x86: {  	p2 =	seq.s32 s4, $0x60000;
	[sflag:s26] =	ssyncset.done $0x0  }
0x87: {  	s7 =	simm.s32 @!p2 $0x9;
	[sflag:s26] =	ssyncadd.s32 $0xFFFFC000  }
0x88: {  	_ =	swait.ge @!p2 [sflag:s7], $0x4000  }
0x89: {  	s8 =	simm.s32 @!p2 $0xE400;
	s10 =	simm.s32 @!p2 $0x80;
	[sflag:s7] =	ssyncset.done @!p2 $0x0  }
0x8a: {  	s9 =	rddreg [dreg:$0x7];
	[sflag:s7] =	ssyncadd.s32 @!p2 $0xFFFFC000;
	s7 =	sadd.s32 @!p2 $0x180, s16  }
0x8b: {  	[tilespmem:s8], [sflag:$0x3] =	stream.indirect.gather @!p2 [spmem:s2], $0x80, s7, s10, $0xb8;
	[tilespmem:$0x1E900] =	vst v63  }
0x8c: {  	s4 =	sadd.s32 s4, s9  }
0x8d: {  	[hbm4b:s4+s3] =	stream.linear.scatter [tilespmem:s19], [sflag:$0xB], $0x4000, $0x38;
	[tilespmem:$0x1E900] =	vst v63  }
0x8e: {  	_ =	swait.ge [sflag:s28], $0x4000  }
0x8f: {  	s14 =	sadd.s32 $0x3000, s14;
	[sflag:s28] =	ssyncset.done $0x0  }
0x90: {  	p1 =	sne.s32 s14, $0x63000;
	s4 =	simm.s32 @!p2 $0xA;
	[sflag:s28] =	ssyncadd.s32 $0xFFFFC000  }
.Ltmp0:
0x91: {  	_ =	swait.ge @!p2 [sflag:s4], $0x4000;
	(pc) =	sbr.rel @p1 .LBB2_2-.Ltmp0, $4  }
0x92: {  	[sflag:s4] =	ssyncset.done @!p2 $0x0  }
0x93: {  	s7 =	simm.s32 @!p2 $0x12400;
	[sflag:s4] =	ssyncadd.s32 @!p2 $0xFFFFC000;
	s4 =	sadd.s32 @!p2 $0x200, s16  }
0x94: {  	[tilespmem:s7], [sflag:$0x4] =	stream.indirect.gather @!p2 [spmem:s2], $0x80, s4, s10, $0xb8;
	[tilespmem:$0x1E900] =	vst v63  }
0x95: {  	s16 =	sadd.s32 $0x300, s16;
	s4 =	sadd.s32 $0x2800, s6  }
0x96: {  	[hbm4b:s4+s3] =	stream.linear.scatter [tilespmem:s21], [sflag:$0xC], $0x4000, $0x38;
	[tilespmem:$0x1E900] =	vst v63  }
0x97: {  	_ =	swait.ge [sflag:s18], $0x4000  }
0x98: {  	[sflag:s18] =	ssyncset.done $0x0  }
0x99: {  	s10 =	rddreg [dreg:$0x9];
	[sflag:s18] =	ssyncadd.s32 $0xFFFFC000  }
0x9a: {  	[hbm4b:s10+s3] =	stream.linear.scatter [tilespmem:s12], [sflag:$0x7], $0x4000, $0x38;
	[tilespmem:$0x1E900] =	vst v63  }
0x9b: {  	_ =	swait.ge [sflag:s20], $0x4000  }
0x9c: {  	[sflag:s20] =	ssyncset.done $0x0  }
0x9d: {  	s14 =	rddreg [dreg:$0xa];
	[sflag:s20] =	ssyncadd.s32 $0xFFFFC000  }
0x9e: {  	[hbm4b:s14+s3] =	stream.linear.scatter [tilespmem:s13], [sflag:$0x8], $0x4000, $0x38;
	[tilespmem:$0x1E900] =	vst v63  }
0x9f: {  	_ =	swait.ge [sflag:s29], $0x4000  }
0xa0: {  	[sflag:s29] =	ssyncset.done $0x0  }
0xa1: {  	[sflag:s29] =	ssyncadd.s32 $0xFFFFC000  }
0xa2: {  	_ =	swait.ge [sflag:s30], $0x4000  }
0xa3: {  	[sflag:s30] =	ssyncset.done $0x0  }
0xa4: {  	[sflag:s30] =	ssyncadd.s32 $0xFFFFC000  }
0xa5: {  	_ =	swait.ge [sflag:s31], $0x4000  }
0xa6: {  	[sflag:s31] =	ssyncset.done $0x0  }
0xa7: {  	[sflag:s31] =	ssyncadd.s32 $0xFFFFC000  }
0xa8: {  	_ =	swait.ge [sflag:s0], $0x4000  }
0xa9: {  	[sflag:s0] =	ssyncset.done $0x0  }
0xaa: {  	[sflag:s0] =	ssyncadd.s32 $0xFFFFC000  }
0xab: {  	_ =	swait.ge [sflag:s23], $0x4000  }
0xac: {  	[sflag:s23] =	ssyncset.done $0x0  }
0xad: {  	[sflag:s23] =	ssyncadd.s32 $0xFFFFC000  }
0xae: {  	_ =	swait.ge [sflag:s25], $0x4000  }
0xaf: {  	s1 =	sadd.s32 $0x1, s1;
	s16 =	rddreg [dreg:$0xb]  }
0xb0: {  	p1 =	sne.s32 s1, s16  }
.Ltmp1:
0xb1: {  	_ = 	snop;
	(pc) =	sbr.rel @p1 .LBB2_1-.Ltmp1, $3  }
0xb2: {  	_ =	sdelay $0x1  }
0xb3: {  	[sflag:s25] =	ssyncset.done $0x0  }
0xb4: {  	[sflag:s25] =	ssyncadd.s32 $0xFFFFC000  }
0xb5: {  	_ =	sfence.sel $0x180000  }
0xb6: {  	[bflag:$0x0] =	sbarrier.arrive $0xFFFF  }
0xb7: {  	_ =	strace $0x90000047  }
0xb8: {  	[bflag:$0x2] =	sbarrier.arrive $0xFFFF  }
0xb9: {  	s0 =	rddreg [dreg:$0x4]  }
0xba: {  	s0 =	sadd.s32 @!p0 $0x100000, s0  }
0xbb: {  	[sflag:s0] =	ssyncadd.tile.s32 @!p0 $0x1;
	_ =	shalt  }
.Lfunc_end2:
_tile_overlayer_lowered:
.L_overlay_start_2:
0xbc: {  	(tag) =	ssettag $0x2  }
0xbd: {  	s0 =	rddreg [dreg:$0x0];
	s2 =	stileid.u32  }
0xbe: {  	s1 =	rddreg [dreg:$0x1];
	p0 =	sne.s32 s2, $0x0  }
0xbf: {  	s3 =	rddreg [dreg:$0x2];
	[bflag:$0x3] =	sbarrier.arrive $0xFFFF;
	s2 =	simm.s32 @!p0 $0x1C0D  }
0xc0: {  	[timem:s3], [sflag:s2] =	dma.local @!p0 [hbm:s0], s1  }
0xc1: {  	s0 =	simm.s32 @!p0 $0xD  }
0xc2: {  	_ =	swait.ge @!p0 [sflag:s0], s1  }
0xc3: {  	s1 =	ssub.s32 @!p0 $0x0, s1;
	[sflag:s0] =	ssyncset.done @!p0 $0x0  }
0xc4: {  	[sflag:s0] =	ssyncadd.s32 @!p0 s1  }
0xc5: {  	[bflag:$0x3] =	sbarrier.arrive $0xFFFF  }
0xc6: {  	_ =	shalt  }

</sc_bundles>
